<compile_context>
chip_gen: v7x
topology: tpu7x:2x2x1
jax: 0.10.2.dev20260603
libtpu: 0.0.44.dev20260713+nightly
codegen_flags: <defaults>
</compile_context>

<pallas_src>
import functools

import jax
import jax.numpy as jnp
from jax import lax
from jax.experimental import pallas as pl
from jax.experimental.pallas import tpu as pltpu
from jax.experimental.pallas import tpu_sc as plsc

NC = 2
NS = 16
NW = NC * NS
CH = 128
DW = 16


def _mesh():
    return plsc.VectorSubcoreMesh(
        core_axis_name="c", subcore_axis_name="s",
        num_cores=NC, num_subcores=NS)


def _make_deg(nacc, nchunks):
    rpt = nacc // NS

    def body(dstp, zeros16, ones16, out0, out1, dst_v, ones_v, acc, sem):
        cid = lax.axis_index("c")
        sid = lax.axis_index("s")
        wid = cid * NS + sid
        sl = pl.ds(sid * rpt, rpt)
        pltpu.sync_copy(zeros16.at[sl], acc.at[sl])
        pltpu.sync_copy(ones16, ones_v)
        pltpu.sync_copy(dstp.at[wid], dst_v)
        plsc.subcore_barrier()

        def step(j, carry):
            pltpu.sync_copy(ones_v, acc.at[dst_v.at[j]], add=True)
            return carry

        lax.fori_loop(0, nchunks, step, 0)
        plsc.subcore_barrier()

        @pl.when(cid == 0)
        def _():
            pltpu.sync_copy(acc.at[sl], out0.at[sl])

        @pl.when(cid == 1)
        def _():
            pltpu.sync_copy(acc.at[sl], out1.at[sl])

    out = jax.ShapeDtypeStruct((nacc, DW), jnp.float32)
    return pl.kernel(
        body,
        out_type=(out, out),
        mesh=_mesh(),
        scratch_types=[
            pltpu.VMEM((nchunks, CH), jnp.int32),
            pltpu.VMEM((CH, DW), jnp.float32),
            pltpu.VMEM_SHARED((nacc, DW), jnp.float32),
            pltpu.SemaphoreType.DMA,
        ],
    )


def _make_agg(n, d, nacc, nchunks):
    rpt = nacc // NS
    kh = nchunks // 2

    def body(table, srcp, dstp, zeros, out0, out1,
             src_v, dst_v, rows0, rows1, acc, sem0, sem1):
        cid = lax.axis_index("c")
        sid = lax.axis_index("s")
        wid = cid * NS + sid
        sl = pl.ds(sid * rpt, rpt)
        pltpu.sync_copy(zeros.at[sl], acc.at[sl])
        plsc.subcore_barrier()

        def half(base):
            pltpu.sync_copy(srcp.at[wid, pl.ds(base * kh, kh)], src_v)
            pltpu.sync_copy(dstp.at[wid, pl.ds(base * kh, kh)], dst_v)
            pltpu.async_copy(table.at[src_v.at[0]], rows0, sem0)

            def step(t, carry):
                j = 2 * t
                pltpu.make_async_copy(table.at[src_v.at[j]], rows0, sem0).wait()
                pltpu.async_copy(table.at[src_v.at[j + 1]], rows1, sem1)
                pltpu.sync_copy(rows0, acc.at[dst_v.at[j]], add=True)
                pltpu.make_async_copy(
                    table.at[src_v.at[j + 1]], rows1, sem1).wait()

                @pl.when(j + 2 < kh)
                def _():
                    pltpu.async_copy(table.at[src_v.at[j + 2]], rows0, sem0)

                pltpu.sync_copy(rows1, acc.at[dst_v.at[j + 1]], add=True)
                return carry

            lax.fori_loop(0, kh // 2, step, 0)

        half(0)
        half(1)
        plsc.subcore_barrier()

        @pl.when(cid == 0)
        def _():
            pltpu.sync_copy(acc.at[sl], out0.at[sl])

        @pl.when(cid == 1)
        def _():
            pltpu.sync_copy(acc.at[sl], out1.at[sl])

    out = jax.ShapeDtypeStruct((nacc, d), jnp.float32)
    return pl.kernel(
        body,
        out_type=(out, out),
        mesh=_mesh(),
        scratch_types=[
            pltpu.VMEM((nchunks // 2, CH), jnp.int32),
            pltpu.VMEM((nchunks // 2, CH), jnp.int32),
            pltpu.VMEM((CH, d), jnp.float32),
            pltpu.VMEM((CH, d), jnp.float32),
            pltpu.VMEM_SHARED((nacc, d), jnp.float32),
            pltpu.SemaphoreType.DMA,
            pltpu.SemaphoreType.DMA,
        ],
    )


def _scale_body(d0, d1, x, dinv_o, xs_o):
    deg = d0[:, 0:1] + d1[:, 0:1] + 1.0
    dv = lax.rsqrt(deg)
    dinv_o[...] = dv
    xs_o[...] = x[...] * dv


def _l1_body(p0, p1, xs, dinv, w, b, hs_o):
    ax = dinv[...] * (p0[...] + p1[...] + xs[...])
    h = jnp.dot(ax, w[...], preferred_element_type=jnp.float32) + b[...]
    hs_o[...] = jnp.maximum(h, 0.0) * dinv[...]


def _l2_body(q0, q1, hs, dinv, wm, bm, wl, bl, mu_o, ls_o):
    ah = dinv[...] * (q0[...] + q1[...] + hs[...])
    mu_o[...] = jnp.dot(ah, wm[...], preferred_element_type=jnp.float32) + bm[...]
    ls_o[...] = jnp.dot(ah, wl[...], preferred_element_type=jnp.float32) + bl[...]


def _row_spec(br, w):
    return pl.BlockSpec((br, w), lambda i: (i, 0))


def _full_spec(shape):
    return pl.BlockSpec(shape, lambda i: tuple(0 for _ in shape))


def kernel(x, edge_index, batch, W1, b1, Wmu, bmu, Wls, bls):
    n, d = x.shape
    e = edge_index.shape[1]
    h1 = W1.shape[1]
    h2 = Wmu.shape[1]
    assert e % NW == 0 and d % 128 == 0 and h1 % 128 == 0
    ept = e // NW
    nchunks = -(-ept // CH)
    nchunks += nchunks % 2
    eptp = nchunks * CH
    nacc = -(-(n + 1) // (8 * NS)) * (8 * NS)

    src = edge_index[0].reshape(NW, ept)
    dst = edge_index[1].reshape(NW, ept)
    pad = ((0, 0), (0, eptp - ept))
    srcp = jnp.pad(src, pad, constant_values=0).reshape(NW, nchunks, CH)
    dstp = jnp.pad(dst, pad, constant_values=n).reshape(NW, nchunks, CH)
    zeros = jnp.zeros((nacc, d), jnp.float32)
    zeros16 = jnp.zeros((nacc, DW), jnp.float32)
    ones16 = jnp.ones((CH, DW), jnp.float32)

    deg0, deg1 = _make_deg(nacc, nchunks)(dstp, zeros16, ones16)

    br = 1000
    grid = (n // br,)
    dinv, xs = pl.pallas_call(
        _scale_body,
        grid=grid,
        in_specs=[_row_spec(br, DW), _row_spec(br, DW), _row_spec(br, d)],
        out_specs=[_row_spec(br, 1), _row_spec(br, d)],
        out_shape=[
            jax.ShapeDtypeStruct((n, 1), jnp.float32),
            jax.ShapeDtypeStruct((n, d), jnp.float32),
        ],
    )(deg0, deg1, x)

    agg = _make_agg(n, d, nacc, nchunks)
    p0, p1 = agg(xs, srcp, dstp, zeros)

    hs = pl.pallas_call(
        _l1_body,
        grid=grid,
        in_specs=[_row_spec(br, d), _row_spec(br, d), _row_spec(br, d),
                  _row_spec(br, 1), _full_spec((d, h1)), _full_spec((1, h1))],
        out_specs=_row_spec(br, h1),
        out_shape=jax.ShapeDtypeStruct((n, h1), jnp.float32),
    )(p0, p1, xs, dinv, W1, b1.reshape(1, h1))

    q0, q1 = agg(hs, srcp, dstp, zeros)

    mu, logstd = pl.pallas_call(
        _l2_body,
        grid=grid,
        in_specs=[_row_spec(br, h1), _row_spec(br, h1), _row_spec(br, h1),
                  _row_spec(br, 1), _full_spec((h1, h2)), _full_spec((1, h2)),
                  _full_spec((h1, h2)), _full_spec((1, h2))],
        out_specs=[_row_spec(br, h2), _row_spec(br, h2)],
        out_shape=[
            jax.ShapeDtypeStruct((n, h2), jnp.float32),
            jax.ShapeDtypeStruct((n, h2), jnp.float32),
        ],
    )(q0, q1, hs, dinv, Wmu, bmu.reshape(1, h2), Wls, bls.reshape(1, h2))

    return (mu, logstd)

# --- scband reference (transcript-rebuilt; emitter-appended) ---
"""Pipeline reference for scband-gcnencoder-47545287966961 (READ-ONLY COPY).

The authoritative reference and input builder live on the scoring server;
editing this copy changes nothing except your own understanding.
"""

import jax, jax.numpy as jnp
import numpy as np

N = 10000
E = 320000
D_IN = 128
H1 = 128
H2 = 64


def gcn_conv(x, src, dst, W, b, num_nodes):
    # PyG GCNConv: add self-loops, symmetric normalization D^-1/2 (A+I) D^-1/2, then linear
    h = x @ W
    loops = jnp.arange(num_nodes, dtype=src.dtype)
    src2 = jnp.concatenate([src, loops])
    dst2 = jnp.concatenate([dst, loops])
    deg = jnp.zeros((num_nodes,), dtype=h.dtype).at[dst2].add(1.0)
    dinv = jnp.where(deg > 0, jax.lax.rsqrt(deg), 0.0)
    norm = dinv[src2] * dinv[dst2]
    msg = h[src2] * norm[:, None]
    out = jax.ops.segment_sum(msg, dst2, num_segments=num_nodes)
    return out + b


def setup_inputs(seed: int = 0) -> dict:
    key = jax.random.key(seed)
    ks = jax.random.split(key, 9)
    x = jax.random.normal(ks[0], (N, D_IN), dtype=jnp.float32)
    edge_index = jax.random.randint(ks[1], (2, E), 0, N, dtype=jnp.int32)
    batch = jnp.zeros((N,), dtype=jnp.int32)
    W1 = jax.random.normal(ks[2], (D_IN, H1), dtype=jnp.float32) * (1.0 / np.sqrt(D_IN))
    b1 = jnp.zeros((H1,), dtype=jnp.float32)
    Wmu = jax.random.normal(ks[3], (H1, H2), dtype=jnp.float32) * (1.0 / np.sqrt(H1))
    bmu = jnp.zeros((H2,), dtype=jnp.float32)
    Wls = jax.random.normal(ks[4], (H1, H2), dtype=jnp.float32) * (1.0 / np.sqrt(H1))
    bls = jnp.zeros((H2,), dtype=jnp.float32)
    return {"x": x, "edge_index": edge_index, "batch": batch, "W1": W1, "b1": b1, "Wmu": Wmu, "bmu": bmu, "Wls": Wls, "bls": bls}


def reference(x, edge_index, batch, W1, b1, Wmu, bmu, Wls, bls):
    # dropout=0 -> no dropout; classifier is None (use_classify=False, mixtures=None)
    src = edge_index[0]
    dst = edge_index[1]
    h = jax.nn.relu(gcn_conv(x, src, dst, W1, b1, N))
    mu = gcn_conv(h, src, dst, Wmu, bmu, N)
    logstd = gcn_conv(h, src, dst, Wls, bls, N)
    # torch module returns (mu, logstd, None, None); Nones dropped here
    return (mu, logstd)

if __name__ == "__main__":
    import jax
    _d = setup_inputs()
    print(jax.jit(kernel)(*tuple(_d.values())))

</pallas_src>

<mosaic_0001>
#map = affine_map<(d0, d1) -> (0, 0)>
#map1 = affine_map<(d0, d1) -> (0, 0, 0)>
module attributes {stable_mosaic.version = 14 : i64} {
  func.func @body(%arg0: i32, %arg1: i32, %arg2: memref<10000x128xf32, #tpu.memory_space<hbm>>, %arg3: memref<32x80x128xi32, #tpu.memory_space<hbm>>, %arg4: memref<32x80x128xi32, #tpu.memory_space<hbm>>, %arg5: memref<10112x128xf32, #tpu.memory_space<hbm>>, %arg6: memref<10112x128xf32, #tpu.memory_space<hbm>>, %arg7: memref<10112x128xf32, #tpu.memory_space<hbm>>, %arg8: memref<40x128xi32, #tpu.memory_space<vmem>>, %arg9: memref<40x128xi32, #tpu.memory_space<vmem>>, %arg10: memref<128x128xf32, #tpu.memory_space<vmem>>, %arg11: memref<128x128xf32, #tpu.memory_space<vmem>>, %arg12: memref<10112x128xf32, #tpu.memory_space<vmem_shared>>, %arg13: memref<!tpu.dma_semaphore, #tpu.memory_space<semaphore_mem>>, %arg14: memref<!tpu.dma_semaphore, #tpu.memory_space<semaphore_mem>>) attributes {dimension_semantics = [#tpu.dimension_semantics<core_parallel>, #tpu.dimension_semantics<subcore_parallel>], iteration_bounds = array<i64: 2, 16>, scalar_prefetch = 0 : i64, scratch_operands = 7 : i64, tpu.core_type = #tpu.core_type<sc_vector_subcore>, window_params = [{transform_indices = #map}, {transform_indices = #map1}, {transform_indices = #map1}, {transform_indices = #map}, {transform_indices = #map}, {transform_indices = #map}]} {
    %mul3A = arith.constant 16 : i32
    %mul3A_0 = arith.muli %arg0, %mul3A : i32
    %add3A = arith.addi %mul3A_0, %arg1 : i32
    %mul3A_1 = arith.constant 632 : i32
    %mul3A_2 = arith.muli %arg1, %mul3A_1 : i32
    "tpu.region"() ({
      %run_scoped3A = tpu.sem_alloc : memref<!tpu.dma_semaphore, #tpu.memory_space<semaphore_mem>>
      %dma_start3A_35 = arith.constant 0 : i32
      %dma_start3A_36 = tpu.memref_slice %arg12[%mul3A_2, %dma_start3A_35] : memref<10112x128xf32, #tpu.memory_space<vmem_shared>> -> memref<632x128xf32, #tpu.memory_space<vmem_shared>>
      %dma_start3A_37 = arith.constant 0 : i32
      %dma_start3A_38 = tpu.memref_slice %arg5[%mul3A_2, %dma_start3A_37] : memref<10112x128xf32, #tpu.memory_space<hbm>> -> memref<632x128xf32, #tpu.memory_space<hbm>>
      tpu.enqueue_dma source(%dma_start3A_38 : memref<632x128xf32, #tpu.memory_space<hbm>>) target(%dma_start3A_36 : memref<632x128xf32, #tpu.memory_space<vmem_shared>>) target_semaphore(%run_scoped3A : memref<!tpu.dma_semaphore, #tpu.memory_space<semaphore_mem>>)
      %dma_wait3A = arith.constant 0 : i32
      %dma_wait3A_39 = tpu.memref_slice %arg12[%mul3A_2, %dma_wait3A] : memref<10112x128xf32, #tpu.memory_space<vmem_shared>> -> memref<632x128xf32, #tpu.memory_space<vmem_shared>>
      %dma_wait3A_40 = arith.constant 0 : i32
      %dma_wait3A_41 = tpu.memref_slice %arg5[%mul3A_2, %dma_wait3A_40] : memref<10112x128xf32, #tpu.memory_space<hbm>> -> memref<632x128xf32, #tpu.memory_space<hbm>>
      tpu.wait_dma2 semaphore(%run_scoped3A : memref<!tpu.dma_semaphore, #tpu.memory_space<semaphore_mem>>) src(%dma_wait3A_41 : memref<632x128xf32, #tpu.memory_space<hbm>>) dst(%dma_wait3A_39 : memref<632x128xf32, #tpu.memory_space<vmem_shared>>)
      tpu.yield
    }) : () -> ()
    %barrier3A = arith.constant 0 : index
    tpu.barrier barrier_id(%barrier3A)
    "tpu.region"() ({
      %run_scoped3A = tpu.sem_alloc : memref<!tpu.dma_semaphore, #tpu.memory_space<semaphore_mem>>
      %dma_start3A_35 = arith.constant 0 : i32
      %dma_start3A_36 = arith.constant 0 : i32
      %dma_start3A_37 = tpu.memref_slice %arg3[%add3A, %dma_start3A_35, %dma_start3A_36] : memref<32x80x128xi32, #tpu.memory_space<hbm>> -> memref<1x40x128xi32, #tpu.memory_space<hbm>>
      %dma_start3A_38 = tpu.memref_squeeze %dma_start3A_37 : memref<1x40x128xi32, #tpu.memory_space<hbm>> -> memref<40x128xi32, #tpu.memory_space<hbm>>
      %dma_start3A_39 = arith.constant 0 : i32
      %dma_start3A_40 = arith.constant 0 : i32
      %dma_start3A_41 = tpu.memref_slice %arg3[%add3A, %dma_start3A_39, %dma_start3A_40] : memref<32x80x128xi32, #tpu.memory_space<hbm>> -> memref<1x40x128xi32, #tpu.memory_space<hbm>>
      %dma_start3A_42 = tpu.memref_squeeze %dma_start3A_41 : memref<1x40x128xi32, #tpu.memory_space<hbm>> -> memref<40x128xi32, #tpu.memory_space<hbm>>
      tpu.enqueue_dma source(%dma_start3A_42 : memref<40x128xi32, #tpu.memory_space<hbm>>) target(%arg8 : memref<40x128xi32, #tpu.memory_space<vmem>>) target_semaphore(%run_scoped3A : memref<!tpu.dma_semaphore, #tpu.memory_space<semaphore_mem>>)
      %dma_wait3A = arith.constant 0 : i32
      %dma_wait3A_43 = arith.constant 0 : i32
      %dma_wait3A_44 = tpu.memref_slice %arg3[%add3A, %dma_wait3A, %dma_wait3A_43] : memref<32x80x128xi32, #tpu.memory_space<hbm>> -> memref<1x40x128xi32, #tpu.memory_space<hbm>>
      %dma_wait3A_45 = tpu.memref_squeeze %dma_wait3A_44 : memref<1x40x128xi32, #tpu.memory_space<hbm>> -> memref<40x128xi32, #tpu.memory_space<hbm>>
      %dma_wait3A_46 = arith.constant 0 : i32
      %dma_wait3A_47 = arith.constant 0 : i32
      %dma_wait3A_48 = tpu.memref_slice %arg3[%add3A, %dma_wait3A_46, %dma_wait3A_47] : memref<32x80x128xi32, #tpu.memory_space<hbm>> -> memref<1x40x128xi32, #tpu.memory_space<hbm>>
      %dma_wait3A_49 = tpu.memref_squeeze %dma_wait3A_48 : memref<1x40x128xi32, #tpu.memory_space<hbm>> -> memref<40x128xi32, #tpu.memory_space<hbm>>
      tpu.wait_dma2 semaphore(%run_scoped3A : memref<!tpu.dma_semaphore, #tpu.memory_space<semaphore_mem>>) src(%dma_wait3A_49 : memref<40x128xi32, #tpu.memory_space<hbm>>) dst(%arg8 : memref<40x128xi32, #tpu.memory_space<vmem>>)
      tpu.yield
    }) : () -> ()
    "tpu.region"() ({
      %run_scoped3A = tpu.sem_alloc : memref<!tpu.dma_semaphore, #tpu.memory_space<semaphore_mem>>
      %dma_start3A_35 = arith.constant 0 : i32
      %dma_start3A_36 = arith.constant 0 : i32
      %dma_start3A_37 = tpu.memref_slice %arg4[%add3A, %dma_start3A_35, %dma_start3A_36] : memref<32x80x128xi32, #tpu.memory_space<hbm>> -> memref<1x40x128xi32, #tpu.memory_space<hbm>>
      %dma_start3A_38 = tpu.memref_squeeze %dma_start3A_37 : memref<1x40x128xi32, #tpu.memory_space<hbm>> -> memref<40x128xi32, #tpu.memory_space<hbm>>
      %dma_start3A_39 = arith.constant 0 : i32
      %dma_start3A_40 = arith.constant 0 : i32
      %dma_start3A_41 = tpu.memref_slice %arg4[%add3A, %dma_start3A_39, %dma_start3A_40] : memref<32x80x128xi32, #tpu.memory_space<hbm>> -> memref<1x40x128xi32, #tpu.memory_space<hbm>>
      %dma_start3A_42 = tpu.memref_squeeze %dma_start3A_41 : memref<1x40x128xi32, #tpu.memory_space<hbm>> -> memref<40x128xi32, #tpu.memory_space<hbm>>
      tpu.enqueue_dma source(%dma_start3A_42 : memref<40x128xi32, #tpu.memory_space<hbm>>) target(%arg9 : memref<40x128xi32, #tpu.memory_space<vmem>>) target_semaphore(%run_scoped3A : memref<!tpu.dma_semaphore, #tpu.memory_space<semaphore_mem>>)
      %dma_wait3A = arith.constant 0 : i32
      %dma_wait3A_43 = arith.constant 0 : i32
      %dma_wait3A_44 = tpu.memref_slice %arg4[%add3A, %dma_wait3A, %dma_wait3A_43] : memref<32x80x128xi32, #tpu.memory_space<hbm>> -> memref<1x40x128xi32, #tpu.memory_space<hbm>>
      %dma_wait3A_45 = tpu.memref_squeeze %dma_wait3A_44 : memref<1x40x128xi32, #tpu.memory_space<hbm>> -> memref<40x128xi32, #tpu.memory_space<hbm>>
      %dma_wait3A_46 = arith.constant 0 : i32
      %dma_wait3A_47 = arith.constant 0 : i32
      %dma_wait3A_48 = tpu.memref_slice %arg4[%add3A, %dma_wait3A_46, %dma_wait3A_47] : memref<32x80x128xi32, #tpu.memory_space<hbm>> -> memref<1x40x128xi32, #tpu.memory_space<hbm>>
      %dma_wait3A_49 = tpu.memref_squeeze %dma_wait3A_48 : memref<1x40x128xi32, #tpu.memory_space<hbm>> -> memref<40x128xi32, #tpu.memory_space<hbm>>
      tpu.wait_dma2 semaphore(%run_scoped3A : memref<!tpu.dma_semaphore, #tpu.memory_space<semaphore_mem>>) src(%dma_wait3A_49 : memref<40x128xi32, #tpu.memory_space<hbm>>) dst(%arg9 : memref<40x128xi32, #tpu.memory_space<vmem>>)
      tpu.yield
    }) : () -> ()
    %dma_start3A = arith.constant 0 : i32
    %dma_start3A_3 = arith.constant 0 : i32
    %dma_start3A_4 = tpu.memref_slice %arg8[%dma_start3A, %dma_start3A_3] : memref<40x128xi32, #tpu.memory_space<vmem>> -> memref<1x128xi32, #tpu.memory_space<vmem>>
    %dma_start3A_5 = tpu.memref_squeeze %dma_start3A_4 : memref<1x128xi32, #tpu.memory_space<vmem>> -> memref<128xi32, #tpu.memory_space<vmem>>
    %dma_start3A_6 = arith.constant 0 : i32
    %dma_start3A_7 = arith.constant 0 : i32
    %dma_start3A_8 = tpu.memref_slice %arg2[%dma_start3A_6, %dma_start3A_7] : memref<10000x128xf32, #tpu.memory_space<hbm>> -> memref<10000x128xf32, #tpu.memory_space<hbm>>
    tpu.enqueue_indirect_dma source(%dma_start3A_8 : memref<10000x128xf32, #tpu.memory_space<hbm>>) target(%arg10 : memref<128x128xf32, #tpu.memory_space<vmem>>) offsets(%dma_start3A_5 : memref<128xi32, #tpu.memory_space<vmem>>) semaphore(%arg13 : memref<!tpu.dma_semaphore, #tpu.memory_space<semaphore_mem>>)
    %scan3A = arith.constant 0 : i32
    %scan3A_9 = arith.constant 0 : i32
    %scan3A_10 = arith.constant 20 : i32
    %scan3A_11 = arith.addi %scan3A_9, %scan3A_10 : i32
    %scan3A_12 = arith.constant 1 : i32
    scf.for %scan3A_35 = %scan3A_9 to %scan3A_11 step %scan3A_12  : i32 {
      %mul3A_36 = arith.constant 2 : i32
      %mul3A_37 = arith.muli %mul3A_36, %scan3A_35 : i32
      %dma_wait3A = arith.constant 0 : i32
      %dma_wait3A_38 = tpu.memref_slice %arg8[%mul3A_37, %dma_wait3A] : memref<40x128xi32, #tpu.memory_space<vmem>> -> memref<1x128xi32, #tpu.memory_space<vmem>>
      %dma_wait3A_39 = tpu.memref_squeeze %dma_wait3A_38 : memref<1x128xi32, #tpu.memory_space<vmem>> -> memref<128xi32, #tpu.memory_space<vmem>>
      %dma_wait3A_40 = arith.constant 0 : i32
      %dma_wait3A_41 = arith.constant 0 : i32
      %dma_wait3A_42 = tpu.memref_slice %arg2[%dma_wait3A_40, %dma_wait3A_41] : memref<10000x128xf32, #tpu.memory_space<hbm>> -> memref<10000x128xf32, #tpu.memory_space<hbm>>
      tpu.wait_indirect_dma semaphore(%arg13 : memref<!tpu.dma_semaphore, #tpu.memory_space<semaphore_mem>>) src(%dma_wait3A_42 : memref<10000x128xf32, #tpu.memory_space<hbm>>) dst(%arg10 : memref<128x128xf32, #tpu.memory_space<vmem>>)
      %add3A_43 = arith.constant 1 : i32
      %add3A_44 = arith.addi %mul3A_37, %add3A_43 : i32
      %dma_start3A_45 = arith.constant 0 : i32
      %dma_start3A_46 = tpu.memref_slice %arg8[%add3A_44, %dma_start3A_45] : memref<40x128xi32, #tpu.memory_space<vmem>> -> memref<1x128xi32, #tpu.memory_space<vmem>>
      %dma_start3A_47 = tpu.memref_squeeze %dma_start3A_46 : memref<1x128xi32, #tpu.memory_space<vmem>> -> memref<128xi32, #tpu.memory_space<vmem>>
      %dma_start3A_48 = arith.constant 0 : i32
      %dma_start3A_49 = arith.constant 0 : i32
      %dma_start3A_50 = tpu.memref_slice %arg2[%dma_start3A_48, %dma_start3A_49] : memref<10000x128xf32, #tpu.memory_space<hbm>> -> memref<10000x128xf32, #tpu.memory_space<hbm>>
      tpu.enqueue_indirect_dma source(%dma_start3A_50 : memref<10000x128xf32, #tpu.memory_space<hbm>>) target(%arg11 : memref<128x128xf32, #tpu.memory_space<vmem>>) offsets(%dma_start3A_47 : memref<128xi32, #tpu.memory_space<vmem>>) semaphore(%arg14 : memref<!tpu.dma_semaphore, #tpu.memory_space<semaphore_mem>>)
      "tpu.region"() ({
        %run_scoped3A = tpu.sem_alloc : memref<!tpu.dma_semaphore, #tpu.memory_space<semaphore_mem>>
        %dma_start3A_67 = arith.constant 0 : i32
        %dma_start3A_68 = tpu.memref_slice %arg9[%mul3A_37, %dma_start3A_67] : memref<40x128xi32, #tpu.memory_space<vmem>> -> memref<1x128xi32, #tpu.memory_space<vmem>>
        %dma_start3A_69 = tpu.memref_squeeze %dma_start3A_68 : memref<1x128xi32, #tpu.memory_space<vmem>> -> memref<128xi32, #tpu.memory_space<vmem>>
        %dma_start3A_70 = arith.constant 0 : i32
        %dma_start3A_71 = arith.constant 0 : i32
        %dma_start3A_72 = tpu.memref_slice %arg12[%dma_start3A_70, %dma_start3A_71] : memref<10112x128xf32, #tpu.memory_space<vmem_shared>> -> memref<10112x128xf32, #tpu.memory_space<vmem_shared>>
        tpu.enqueue_indirect_dma source(%arg10 : memref<128x128xf32, #tpu.memory_space<vmem>>) target(%dma_start3A_72 : memref<10112x128xf32, #tpu.memory_space<vmem_shared>>) offsets(%dma_start3A_69 : memref<128xi32, #tpu.memory_space<vmem>>) semaphore(%run_scoped3A : memref<!tpu.dma_semaphore, #tpu.memory_space<semaphore_mem>>) {add = true}
        %dma_wait3A_73 = arith.constant 0 : i32
        %dma_wait3A_74 = tpu.memref_slice %arg9[%mul3A_37, %dma_wait3A_73] : memref<40x128xi32, #tpu.memory_space<vmem>> -> memref<1x128xi32, #tpu.memory_space<vmem>>
        %dma_wait3A_75 = tpu.memref_squeeze %dma_wait3A_74 : memref<1x128xi32, #tpu.memory_space<vmem>> -> memref<128xi32, #tpu.memory_space<vmem>>
        %dma_wait3A_76 = arith.constant 0 : i32
        %dma_wait3A_77 = arith.constant 0 : i32
        %dma_wait3A_78 = tpu.memref_slice %arg12[%dma_wait3A_76, %dma_wait3A_77] : memref<10112x128xf32, #tpu.memory_space<vmem_shared>> -> memref<10112x128xf32, #tpu.memory_space<vmem_shared>>
        tpu.wait_indirect_dma semaphore(%run_scoped3A : memref<!tpu.dma_semaphore, #tpu.memory_space<semaphore_mem>>) src(%arg10 : memref<128x128xf32, #tpu.memory_space<vmem>>) dst(%dma_wait3A_78 : memref<10112x128xf32, #tpu.memory_space<vmem_shared>>)
        tpu.yield
      }) : () -> ()
      %add3A_51 = arith.constant 1 : i32
      %add3A_52 = arith.addi %mul3A_37, %add3A_51 : i32
      %dma_wait3A_53 = arith.constant 0 : i32
      %dma_wait3A_54 = tpu.memref_slice %arg8[%add3A_52, %dma_wait3A_53] : memref<40x128xi32, #tpu.memory_space<vmem>> -> memref<1x128xi32, #tpu.memory_space<vmem>>
      %dma_wait3A_55 = tpu.memref_squeeze %dma_wait3A_54 : memref<1x128xi32, #tpu.memory_space<vmem>> -> memref<128xi32, #tpu.memory_space<vmem>>
      %dma_wait3A_56 = arith.constant 0 : i32
      %dma_wait3A_57 = arith.constant 0 : i32
      %dma_wait3A_58 = tpu.memref_slice %arg2[%dma_wait3A_56, %dma_wait3A_57] : memref<10000x128xf32, #tpu.memory_space<hbm>> -> memref<10000x128xf32, #tpu.memory_space<hbm>>
      tpu.wait_indirect_dma semaphore(%arg14 : memref<!tpu.dma_semaphore, #tpu.memory_space<semaphore_mem>>) src(%dma_wait3A_58 : memref<10000x128xf32, #tpu.memory_space<hbm>>) dst(%arg11 : memref<128x128xf32, #tpu.memory_space<vmem>>)
      %add3A_59 = arith.constant 2 : i32
      %add3A_60 = arith.addi %mul3A_37, %add3A_59 : i32
      %lt3A = arith.constant 40 : i32
      %lt3A_61 = arith.cmpi slt, %add3A_60, %lt3A : i32
      %convert_element_type3A_62 = arith.extui %lt3A_61 : i1 to i32
      %cond3A_63 = arith.constant 0 : i32
      %cond3A_64 = arith.cmpi ne, %convert_element_type3A_62, %cond3A_63 : i32
      scf.if %cond3A_64 {
        %add3A_67 = arith.constant 2 : i32
        %add3A_68 = arith.addi %mul3A_37, %add3A_67 : i32
        %dma_start3A_69 = arith.constant 0 : i32
        %dma_start3A_70 = tpu.memref_slice %arg8[%add3A_68, %dma_start3A_69] : memref<40x128xi32, #tpu.memory_space<vmem>> -> memref<1x128xi32, #tpu.memory_space<vmem>>
        %dma_start3A_71 = tpu.memref_squeeze %dma_start3A_70 : memref<1x128xi32, #tpu.memory_space<vmem>> -> memref<128xi32, #tpu.memory_space<vmem>>
        %dma_start3A_72 = arith.constant 0 : i32
        %dma_start3A_73 = arith.constant 0 : i32
        %dma_start3A_74 = tpu.memref_slice %arg2[%dma_start3A_72, %dma_start3A_73] : memref<10000x128xf32, #tpu.memory_space<hbm>> -> memref<10000x128xf32, #tpu.memory_space<hbm>>
        tpu.enqueue_indirect_dma source(%dma_start3A_74 : memref<10000x128xf32, #tpu.memory_space<hbm>>) target(%arg10 : memref<128x128xf32, #tpu.memory_space<vmem>>) offsets(%dma_start3A_71 : memref<128xi32, #tpu.memory_space<vmem>>) semaphore(%arg13 : memref<!tpu.dma_semaphore, #tpu.memory_space<semaphore_mem>>)
      } else {
      }
      %add3A_65 = arith.constant 1 : i32
      %add3A_66 = arith.addi %mul3A_37, %add3A_65 : i32
      "tpu.region"() ({
        %run_scoped3A = tpu.sem_alloc : memref<!tpu.dma_semaphore, #tpu.memory_space<semaphore_mem>>
        %dma_start3A_67 = arith.constant 0 : i32
        %dma_start3A_68 = tpu.memref_slice %arg9[%add3A_66, %dma_start3A_67] : memref<40x128xi32, #tpu.memory_space<vmem>> -> memref<1x128xi32, #tpu.memory_space<vmem>>
        %dma_start3A_69 = tpu.memref_squeeze %dma_start3A_68 : memref<1x128xi32, #tpu.memory_space<vmem>> -> memref<128xi32, #tpu.memory_space<vmem>>
        %dma_start3A_70 = arith.constant 0 : i32
        %dma_start3A_71 = arith.constant 0 : i32
        %dma_start3A_72 = tpu.memref_slice %arg12[%dma_start3A_70, %dma_start3A_71] : memref<10112x128xf32, #tpu.memory_space<vmem_shared>> -> memref<10112x128xf32, #tpu.memory_space<vmem_shared>>
        tpu.enqueue_indirect_dma source(%arg11 : memref<128x128xf32, #tpu.memory_space<vmem>>) target(%dma_start3A_72 : memref<10112x128xf32, #tpu.memory_space<vmem_shared>>) offsets(%dma_start3A_69 : memref<128xi32, #tpu.memory_space<vmem>>) semaphore(%run_scoped3A : memref<!tpu.dma_semaphore, #tpu.memory_space<semaphore_mem>>) {add = true}
        %dma_wait3A_73 = arith.constant 0 : i32
        %dma_wait3A_74 = tpu.memref_slice %arg9[%add3A_66, %dma_wait3A_73] : memref<40x128xi32, #tpu.memory_space<vmem>> -> memref<1x128xi32, #tpu.memory_space<vmem>>
        %dma_wait3A_75 = tpu.memref_squeeze %dma_wait3A_74 : memref<1x128xi32, #tpu.memory_space<vmem>> -> memref<128xi32, #tpu.memory_space<vmem>>
        %dma_wait3A_76 = arith.constant 0 : i32
        %dma_wait3A_77 = arith.constant 0 : i32
        %dma_wait3A_78 = tpu.memref_slice %arg12[%dma_wait3A_76, %dma_wait3A_77] : memref<10112x128xf32, #tpu.memory_space<vmem_shared>> -> memref<10112x128xf32, #tpu.memory_space<vmem_shared>>
        tpu.wait_indirect_dma semaphore(%run_scoped3A : memref<!tpu.dma_semaphore, #tpu.memory_space<semaphore_mem>>) src(%arg11 : memref<128x128xf32, #tpu.memory_space<vmem>>) dst(%dma_wait3A_78 : memref<10112x128xf32, #tpu.memory_space<vmem_shared>>)
        tpu.yield
      }) : () -> ()
    }
    %scan3A_13 = arith.constant 20 : i32
    "tpu.region"() ({
      %run_scoped3A = tpu.sem_alloc : memref<!tpu.dma_semaphore, #tpu.memory_space<semaphore_mem>>
      %dma_start3A_35 = arith.constant 40 : i32
      %dma_start3A_36 = arith.constant 0 : i32
      %dma_start3A_37 = tpu.memref_slice %arg3[%add3A, %dma_start3A_35, %dma_start3A_36] : memref<32x80x128xi32, #tpu.memory_space<hbm>> -> memref<1x40x128xi32, #tpu.memory_space<hbm>>
      %dma_start3A_38 = tpu.memref_squeeze %dma_start3A_37 : memref<1x40x128xi32, #tpu.memory_space<hbm>> -> memref<40x128xi32, #tpu.memory_space<hbm>>
      %dma_start3A_39 = arith.constant 40 : i32
      %dma_start3A_40 = arith.constant 0 : i32
      %dma_start3A_41 = tpu.memref_slice %arg3[%add3A, %dma_start3A_39, %dma_start3A_40] : memref<32x80x128xi32, #tpu.memory_space<hbm>> -> memref<1x40x128xi32, #tpu.memory_space<hbm>>
      %dma_start3A_42 = tpu.memref_squeeze %dma_start3A_41 : memref<1x40x128xi32, #tpu.memory_space<hbm>> -> memref<40x128xi32, #tpu.memory_space<hbm>>
      tpu.enqueue_dma source(%dma_start3A_42 : memref<40x128xi32, #tpu.memory_space<hbm>>) target(%arg8 : memref<40x128xi32, #tpu.memory_space<vmem>>) target_semaphore(%run_scoped3A : memref<!tpu.dma_semaphore, #tpu.memory_space<semaphore_mem>>)
      %dma_wait3A = arith.constant 40 : i32
      %dma_wait3A_43 = arith.constant 0 : i32
      %dma_wait3A_44 = tpu.memref_slice %arg3[%add3A, %dma_wait3A, %dma_wait3A_43] : memref<32x80x128xi32, #tpu.memory_space<hbm>> -> memref<1x40x128xi32, #tpu.memory_space<hbm>>
      %dma_wait3A_45 = tpu.memref_squeeze %dma_wait3A_44 : memref<1x40x128xi32, #tpu.memory_space<hbm>> -> memref<40x128xi32, #tpu.memory_space<hbm>>
      %dma_wait3A_46 = arith.constant 40 : i32
      %dma_wait3A_47 = arith.constant 0 : i32
      %dma_wait3A_48 = tpu.memref_slice %arg3[%add3A, %dma_wait3A_46, %dma_wait3A_47] : memref<32x80x128xi32, #tpu.memory_space<hbm>> -> memref<1x40x128xi32, #tpu.memory_space<hbm>>
      %dma_wait3A_49 = tpu.memref_squeeze %dma_wait3A_48 : memref<1x40x128xi32, #tpu.memory_space<hbm>> -> memref<40x128xi32, #tpu.memory_space<hbm>>
      tpu.wait_dma2 semaphore(%run_scoped3A : memref<!tpu.dma_semaphore, #tpu.memory_space<semaphore_mem>>) src(%dma_wait3A_49 : memref<40x128xi32, #tpu.memory_space<hbm>>) dst(%arg8 : memref<40x128xi32, #tpu.memory_space<vmem>>)
      tpu.yield
    }) : () -> ()
    "tpu.region"() ({
      %run_scoped3A = tpu.sem_alloc : memref<!tpu.dma_semaphore, #tpu.memory_space<semaphore_mem>>
      %dma_start3A_35 = arith.constant 40 : i32
      %dma_start3A_36 = arith.constant 0 : i32
      %dma_start3A_37 = tpu.memref_slice %arg4[%add3A, %dma_start3A_35, %dma_start3A_36] : memref<32x80x128xi32, #tpu.memory_space<hbm>> -> memref<1x40x128xi32, #tpu.memory_space<hbm>>
      %dma_start3A_38 = tpu.memref_squeeze %dma_start3A_37 : memref<1x40x128xi32, #tpu.memory_space<hbm>> -> memref<40x128xi32, #tpu.memory_space<hbm>>
      %dma_start3A_39 = arith.constant 40 : i32
      %dma_start3A_40 = arith.constant 0 : i32
      %dma_start3A_41 = tpu.memref_slice %arg4[%add3A, %dma_start3A_39, %dma_start3A_40] : memref<32x80x128xi32, #tpu.memory_space<hbm>> -> memref<1x40x128xi32, #tpu.memory_space<hbm>>
      %dma_start3A_42 = tpu.memref_squeeze %dma_start3A_41 : memref<1x40x128xi32, #tpu.memory_space<hbm>> -> memref<40x128xi32, #tpu.memory_space<hbm>>
      tpu.enqueue_dma source(%dma_start3A_42 : memref<40x128xi32, #tpu.memory_space<hbm>>) target(%arg9 : memref<40x128xi32, #tpu.memory_space<vmem>>) target_semaphore(%run_scoped3A : memref<!tpu.dma_semaphore, #tpu.memory_space<semaphore_mem>>)
      %dma_wait3A = arith.constant 40 : i32
      %dma_wait3A_43 = arith.constant 0 : i32
      %dma_wait3A_44 = tpu.memref_slice %arg4[%add3A, %dma_wait3A, %dma_wait3A_43] : memref<32x80x128xi32, #tpu.memory_space<hbm>> -> memref<1x40x128xi32, #tpu.memory_space<hbm>>
      %dma_wait3A_45 = tpu.memref_squeeze %dma_wait3A_44 : memref<1x40x128xi32, #tpu.memory_space<hbm>> -> memref<40x128xi32, #tpu.memory_space<hbm>>
      %dma_wait3A_46 = arith.constant 40 : i32
      %dma_wait3A_47 = arith.constant 0 : i32
      %dma_wait3A_48 = tpu.memref_slice %arg4[%add3A, %dma_wait3A_46, %dma_wait3A_47] : memref<32x80x128xi32, #tpu.memory_space<hbm>> -> memref<1x40x128xi32, #tpu.memory_space<hbm>>
      %dma_wait3A_49 = tpu.memref_squeeze %dma_wait3A_48 : memref<1x40x128xi32, #tpu.memory_space<hbm>> -> memref<40x128xi32, #tpu.memory_space<hbm>>
      tpu.wait_dma2 semaphore(%run_scoped3A : memref<!tpu.dma_semaphore, #tpu.memory_space<semaphore_mem>>) src(%dma_wait3A_49 : memref<40x128xi32, #tpu.memory_space<hbm>>) dst(%arg9 : memref<40x128xi32, #tpu.memory_space<vmem>>)
      tpu.yield
    }) : () -> ()
    %dma_start3A_14 = arith.constant 0 : i32
    %dma_start3A_15 = arith.constant 0 : i32
    %dma_start3A_16 = tpu.memref_slice %arg8[%dma_start3A_14, %dma_start3A_15] : memref<40x128xi32, #tpu.memory_space<vmem>> -> memref<1x128xi32, #tpu.memory_space<vmem>>
    %dma_start3A_17 = tpu.memref_squeeze %dma_start3A_16 : memref<1x128xi32, #tpu.memory_space<vmem>> -> memref<128xi32, #tpu.memory_space<vmem>>
    %dma_start3A_18 = arith.constant 0 : i32
    %dma_start3A_19 = arith.constant 0 : i32
    %dma_start3A_20 = tpu.memref_slice %arg2[%dma_start3A_18, %dma_start3A_19] : memref<10000x128xf32, #tpu.memory_space<hbm>> -> memref<10000x128xf32, #tpu.memory_space<hbm>>
    tpu.enqueue_indirect_dma source(%dma_start3A_20 : memref<10000x128xf32, #tpu.memory_space<hbm>>) target(%arg10 : memref<128x128xf32, #tpu.memory_space<vmem>>) offsets(%dma_start3A_17 : memref<128xi32, #tpu.memory_space<vmem>>) semaphore(%arg13 : memref<!tpu.dma_semaphore, #tpu.memory_space<semaphore_mem>>)
    %scan3A_21 = arith.constant 0 : i32
    %scan3A_22 = arith.constant 0 : i32
    %scan3A_23 = arith.constant 20 : i32
    %scan3A_24 = arith.addi %scan3A_22, %scan3A_23 : i32
    %scan3A_25 = arith.constant 1 : i32
    scf.for %scan3A_35 = %scan3A_22 to %scan3A_24 step %scan3A_25  : i32 {
      %mul3A_36 = arith.constant 2 : i32
      %mul3A_37 = arith.muli %mul3A_36, %scan3A_35 : i32
      %dma_wait3A = arith.constant 0 : i32
      %dma_wait3A_38 = tpu.memref_slice %arg8[%mul3A_37, %dma_wait3A] : memref<40x128xi32, #tpu.memory_space<vmem>> -> memref<1x128xi32, #tpu.memory_space<vmem>>
      %dma_wait3A_39 = tpu.memref_squeeze %dma_wait3A_38 : memref<1x128xi32, #tpu.memory_space<vmem>> -> memref<128xi32, #tpu.memory_space<vmem>>
      %dma_wait3A_40 = arith.constant 0 : i32
      %dma_wait3A_41 = arith.constant 0 : i32
      %dma_wait3A_42 = tpu.memref_slice %arg2[%dma_wait3A_40, %dma_wait3A_41] : memref<10000x128xf32, #tpu.memory_space<hbm>> -> memref<10000x128xf32, #tpu.memory_space<hbm>>
      tpu.wait_indirect_dma semaphore(%arg13 : memref<!tpu.dma_semaphore, #tpu.memory_space<semaphore_mem>>) src(%dma_wait3A_42 : memref<10000x128xf32, #tpu.memory_space<hbm>>) dst(%arg10 : memref<128x128xf32, #tpu.memory_space<vmem>>)
      %add3A_43 = arith.constant 1 : i32
      %add3A_44 = arith.addi %mul3A_37, %add3A_43 : i32
      %dma_start3A_45 = arith.constant 0 : i32
      %dma_start3A_46 = tpu.memref_slice %arg8[%add3A_44, %dma_start3A_45] : memref<40x128xi32, #tpu.memory_space<vmem>> -> memref<1x128xi32, #tpu.memory_space<vmem>>
      %dma_start3A_47 = tpu.memref_squeeze %dma_start3A_46 : memref<1x128xi32, #tpu.memory_space<vmem>> -> memref<128xi32, #tpu.memory_space<vmem>>
      %dma_start3A_48 = arith.constant 0 : i32
      %dma_start3A_49 = arith.constant 0 : i32
      %dma_start3A_50 = tpu.memref_slice %arg2[%dma_start3A_48, %dma_start3A_49] : memref<10000x128xf32, #tpu.memory_space<hbm>> -> memref<10000x128xf32, #tpu.memory_space<hbm>>
      tpu.enqueue_indirect_dma source(%dma_start3A_50 : memref<10000x128xf32, #tpu.memory_space<hbm>>) target(%arg11 : memref<128x128xf32, #tpu.memory_space<vmem>>) offsets(%dma_start3A_47 : memref<128xi32, #tpu.memory_space<vmem>>) semaphore(%arg14 : memref<!tpu.dma_semaphore, #tpu.memory_space<semaphore_mem>>)
      "tpu.region"() ({
        %run_scoped3A = tpu.sem_alloc : memref<!tpu.dma_semaphore, #tpu.memory_space<semaphore_mem>>
        %dma_start3A_67 = arith.constant 0 : i32
        %dma_start3A_68 = tpu.memref_slice %arg9[%mul3A_37, %dma_start3A_67] : memref<40x128xi32, #tpu.memory_space<vmem>> -> memref<1x128xi32, #tpu.memory_space<vmem>>
        %dma_start3A_69 = tpu.memref_squeeze %dma_start3A_68 : memref<1x128xi32, #tpu.memory_space<vmem>> -> memref<128xi32, #tpu.memory_space<vmem>>
        %dma_start3A_70 = arith.constant 0 : i32
        %dma_start3A_71 = arith.constant 0 : i32
        %dma_start3A_72 = tpu.memref_slice %arg12[%dma_start3A_70, %dma_start3A_71] : memref<10112x128xf32, #tpu.memory_space<vmem_shared>> -> memref<10112x128xf32, #tpu.memory_space<vmem_shared>>
        tpu.enqueue_indirect_dma source(%arg10 : memref<128x128xf32, #tpu.memory_space<vmem>>) target(%dma_start3A_72 : memref<10112x128xf32, #tpu.memory_space<vmem_shared>>) offsets(%dma_start3A_69 : memref<128xi32, #tpu.memory_space<vmem>>) semaphore(%run_scoped3A : memref<!tpu.dma_semaphore, #tpu.memory_space<semaphore_mem>>) {add = true}
        %dma_wait3A_73 = arith.constant 0 : i32
        %dma_wait3A_74 = tpu.memref_slice %arg9[%mul3A_37, %dma_wait3A_73] : memref<40x128xi32, #tpu.memory_space<vmem>> -> memref<1x128xi32, #tpu.memory_space<vmem>>
        %dma_wait3A_75 = tpu.memref_squeeze %dma_wait3A_74 : memref<1x128xi32, #tpu.memory_space<vmem>> -> memref<128xi32, #tpu.memory_space<vmem>>
        %dma_wait3A_76 = arith.constant 0 : i32
        %dma_wait3A_77 = arith.constant 0 : i32
        %dma_wait3A_78 = tpu.memref_slice %arg12[%dma_wait3A_76, %dma_wait3A_77] : memref<10112x128xf32, #tpu.memory_space<vmem_shared>> -> memref<10112x128xf32, #tpu.memory_space<vmem_shared>>
        tpu.wait_indirect_dma semaphore(%run_scoped3A : memref<!tpu.dma_semaphore, #tpu.memory_space<semaphore_mem>>) src(%arg10 : memref<128x128xf32, #tpu.memory_space<vmem>>) dst(%dma_wait3A_78 : memref<10112x128xf32, #tpu.memory_space<vmem_shared>>)
        tpu.yield
      }) : () -> ()
      %add3A_51 = arith.constant 1 : i32
      %add3A_52 = arith.addi %mul3A_37, %add3A_51 : i32
      %dma_wait3A_53 = arith.constant 0 : i32
      %dma_wait3A_54 = tpu.memref_slice %arg8[%add3A_52, %dma_wait3A_53] : memref<40x128xi32, #tpu.memory_space<vmem>> -> memref<1x128xi32, #tpu.memory_space<vmem>>
      %dma_wait3A_55 = tpu.memref_squeeze %dma_wait3A_54 : memref<1x128xi32, #tpu.memory_space<vmem>> -> memref<128xi32, #tpu.memory_space<vmem>>
      %dma_wait3A_56 = arith.constant 0 : i32
      %dma_wait3A_57 = arith.constant 0 : i32
      %dma_wait3A_58 = tpu.memref_slice %arg2[%dma_wait3A_56, %dma_wait3A_57] : memref<10000x128xf32, #tpu.memory_space<hbm>> -> memref<10000x128xf32, #tpu.memory_space<hbm>>
      tpu.wait_indirect_dma semaphore(%arg14 : memref<!tpu.dma_semaphore, #tpu.memory_space<semaphore_mem>>) src(%dma_wait3A_58 : memref<10000x128xf32, #tpu.memory_space<hbm>>) dst(%arg11 : memref<128x128xf32, #tpu.memory_space<vmem>>)
      %add3A_59 = arith.constant 2 : i32
      %add3A_60 = arith.addi %mul3A_37, %add3A_59 : i32
      %lt3A = arith.constant 40 : i32
      %lt3A_61 = arith.cmpi slt, %add3A_60, %lt3A : i32
      %convert_element_type3A_62 = arith.extui %lt3A_61 : i1 to i32
      %cond3A_63 = arith.constant 0 : i32
      %cond3A_64 = arith.cmpi ne, %convert_element_type3A_62, %cond3A_63 : i32
      scf.if %cond3A_64 {
        %add3A_67 = arith.constant 2 : i32
        %add3A_68 = arith.addi %mul3A_37, %add3A_67 : i32
        %dma_start3A_69 = arith.constant 0 : i32
        %dma_start3A_70 = tpu.memref_slice %arg8[%add3A_68, %dma_start3A_69] : memref<40x128xi32, #tpu.memory_space<vmem>> -> memref<1x128xi32, #tpu.memory_space<vmem>>
        %dma_start3A_71 = tpu.memref_squeeze %dma_start3A_70 : memref<1x128xi32, #tpu.memory_space<vmem>> -> memref<128xi32, #tpu.memory_space<vmem>>
        %dma_start3A_72 = arith.constant 0 : i32
        %dma_start3A_73 = arith.constant 0 : i32
        %dma_start3A_74 = tpu.memref_slice %arg2[%dma_start3A_72, %dma_start3A_73] : memref<10000x128xf32, #tpu.memory_space<hbm>> -> memref<10000x128xf32, #tpu.memory_space<hbm>>
        tpu.enqueue_indirect_dma source(%dma_start3A_74 : memref<10000x128xf32, #tpu.memory_space<hbm>>) target(%arg10 : memref<128x128xf32, #tpu.memory_space<vmem>>) offsets(%dma_start3A_71 : memref<128xi32, #tpu.memory_space<vmem>>) semaphore(%arg13 : memref<!tpu.dma_semaphore, #tpu.memory_space<semaphore_mem>>)
      } else {
      }
      %add3A_65 = arith.constant 1 : i32
      %add3A_66 = arith.addi %mul3A_37, %add3A_65 : i32
      "tpu.region"() ({
        %run_scoped3A = tpu.sem_alloc : memref<!tpu.dma_semaphore, #tpu.memory_space<semaphore_mem>>
        %dma_start3A_67 = arith.constant 0 : i32
        %dma_start3A_68 = tpu.memref_slice %arg9[%add3A_66, %dma_start3A_67] : memref<40x128xi32, #tpu.memory_space<vmem>> -> memref<1x128xi32, #tpu.memory_space<vmem>>
        %dma_start3A_69 = tpu.memref_squeeze %dma_start3A_68 : memref<1x128xi32, #tpu.memory_space<vmem>> -> memref<128xi32, #tpu.memory_space<vmem>>
        %dma_start3A_70 = arith.constant 0 : i32
        %dma_start3A_71 = arith.constant 0 : i32
        %dma_start3A_72 = tpu.memref_slice %arg12[%dma_start3A_70, %dma_start3A_71] : memref<10112x128xf32, #tpu.memory_space<vmem_shared>> -> memref<10112x128xf32, #tpu.memory_space<vmem_shared>>
        tpu.enqueue_indirect_dma source(%arg11 : memref<128x128xf32, #tpu.memory_space<vmem>>) target(%dma_start3A_72 : memref<10112x128xf32, #tpu.memory_space<vmem_shared>>) offsets(%dma_start3A_69 : memref<128xi32, #tpu.memory_space<vmem>>) semaphore(%run_scoped3A : memref<!tpu.dma_semaphore, #tpu.memory_space<semaphore_mem>>) {add = true}
        %dma_wait3A_73 = arith.constant 0 : i32
        %dma_wait3A_74 = tpu.memref_slice %arg9[%add3A_66, %dma_wait3A_73] : memref<40x128xi32, #tpu.memory_space<vmem>> -> memref<1x128xi32, #tpu.memory_space<vmem>>
        %dma_wait3A_75 = tpu.memref_squeeze %dma_wait3A_74 : memref<1x128xi32, #tpu.memory_space<vmem>> -> memref<128xi32, #tpu.memory_space<vmem>>
        %dma_wait3A_76 = arith.constant 0 : i32
        %dma_wait3A_77 = arith.constant 0 : i32
        %dma_wait3A_78 = tpu.memref_slice %arg12[%dma_wait3A_76, %dma_wait3A_77] : memref<10112x128xf32, #tpu.memory_space<vmem_shared>> -> memref<10112x128xf32, #tpu.memory_space<vmem_shared>>
        tpu.wait_indirect_dma semaphore(%run_scoped3A : memref<!tpu.dma_semaphore, #tpu.memory_space<semaphore_mem>>) src(%arg11 : memref<128x128xf32, #tpu.memory_space<vmem>>) dst(%dma_wait3A_78 : memref<10112x128xf32, #tpu.memory_space<vmem_shared>>)
        tpu.yield
      }) : () -> ()
    }
    %scan3A_26 = arith.constant 20 : i32
    %barrier3A_27 = arith.constant 0 : index
    tpu.barrier barrier_id(%barrier3A_27)
    %eq3A = arith.constant 0 : i32
    %eq3A_28 = arith.cmpi eq, %arg0, %eq3A : i32
    %convert_element_type3A = arith.extui %eq3A_28 : i1 to i32
    %cond3A = arith.constant 0 : i32
    %cond3A_29 = arith.cmpi ne, %convert_element_type3A, %cond3A : i32
    scf.if %cond3A_29 {
      "tpu.region"() ({
        %run_scoped3A = tpu.sem_alloc : memref<!tpu.dma_semaphore, #tpu.memory_space<semaphore_mem>>
        %dma_start3A_35 = arith.constant 0 : i32
        %dma_start3A_36 = tpu.memref_slice %arg6[%mul3A_2, %dma_start3A_35] : memref<10112x128xf32, #tpu.memory_space<hbm>> -> memref<632x128xf32, #tpu.memory_space<hbm>>
        %dma_start3A_37 = arith.constant 0 : i32
        %dma_start3A_38 = tpu.memref_slice %arg12[%mul3A_2, %dma_start3A_37] : memref<10112x128xf32, #tpu.memory_space<vmem_shared>> -> memref<632x128xf32, #tpu.memory_space<vmem_shared>>
        tpu.enqueue_dma source(%dma_start3A_38 : memref<632x128xf32, #tpu.memory_space<vmem_shared>>) target(%dma_start3A_36 : memref<632x128xf32, #tpu.memory_space<hbm>>) target_semaphore(%run_scoped3A : memref<!tpu.dma_semaphore, #tpu.memory_space<semaphore_mem>>)
        %dma_wait3A = arith.constant 0 : i32
        %dma_wait3A_39 = tpu.memref_slice %arg6[%mul3A_2, %dma_wait3A] : memref<10112x128xf32, #tpu.memory_space<hbm>> -> memref<632x128xf32, #tpu.memory_space<hbm>>
        %dma_wait3A_40 = arith.constant 0 : i32
        %dma_wait3A_41 = tpu.memref_slice %arg12[%mul3A_2, %dma_wait3A_40] : memref<10112x128xf32, #tpu.memory_space<vmem_shared>> -> memref<632x128xf32, #tpu.memory_space<vmem_shared>>
        tpu.wait_dma2 semaphore(%run_scoped3A : memref<!tpu.dma_semaphore, #tpu.memory_space<semaphore_mem>>) src(%dma_wait3A_41 : memref<632x128xf32, #tpu.memory_space<vmem_shared>>) dst(%dma_wait3A_39 : memref<632x128xf32, #tpu.memory_space<hbm>>)
        tpu.yield
      }) : () -> ()
    } else {
    }
    %eq3A_30 = arith.constant 1 : i32
    %eq3A_31 = arith.cmpi eq, %arg0, %eq3A_30 : i32
    %convert_element_type3A_32 = arith.extui %eq3A_31 : i1 to i32
    %cond3A_33 = arith.constant 0 : i32
    %cond3A_34 = arith.cmpi ne, %convert_element_type3A_32, %cond3A_33 : i32
    scf.if %cond3A_34 {
      "tpu.region"() ({
        %run_scoped3A = tpu.sem_alloc : memref<!tpu.dma_semaphore, #tpu.memory_space<semaphore_mem>>
        %dma_start3A_35 = arith.constant 0 : i32
        %dma_start3A_36 = tpu.memref_slice %arg7[%mul3A_2, %dma_start3A_35] : memref<10112x128xf32, #tpu.memory_space<hbm>> -> memref<632x128xf32, #tpu.memory_space<hbm>>
        %dma_start3A_37 = arith.constant 0 : i32
        %dma_start3A_38 = tpu.memref_slice %arg12[%mul3A_2, %dma_start3A_37] : memref<10112x128xf32, #tpu.memory_space<vmem_shared>> -> memref<632x128xf32, #tpu.memory_space<vmem_shared>>
        tpu.enqueue_dma source(%dma_start3A_38 : memref<632x128xf32, #tpu.memory_space<vmem_shared>>) target(%dma_start3A_36 : memref<632x128xf32, #tpu.memory_space<hbm>>) target_semaphore(%run_scoped3A : memref<!tpu.dma_semaphore, #tpu.memory_space<semaphore_mem>>)
        %dma_wait3A = arith.constant 0 : i32
        %dma_wait3A_39 = tpu.memref_slice %arg7[%mul3A_2, %dma_wait3A] : memref<10112x128xf32, #tpu.memory_space<hbm>> -> memref<632x128xf32, #tpu.memory_space<hbm>>
        %dma_wait3A_40 = arith.constant 0 : i32
        %dma_wait3A_41 = tpu.memref_slice %arg12[%mul3A_2, %dma_wait3A_40] : memref<10112x128xf32, #tpu.memory_space<vmem_shared>> -> memref<632x128xf32, #tpu.memory_space<vmem_shared>>
        tpu.wait_dma2 semaphore(%run_scoped3A : memref<!tpu.dma_semaphore, #tpu.memory_space<semaphore_mem>>) src(%dma_wait3A_41 : memref<632x128xf32, #tpu.memory_space<vmem_shared>>) dst(%dma_wait3A_39 : memref<632x128xf32, #tpu.memory_space<hbm>>)
        tpu.yield
      }) : () -> ()
    } else {
    }
    return
  }
}

#map = affine_map<(d0, d1) -> (0, 0, 0)>
#map1 = affine_map<(d0, d1) -> (0, 0)>
module attributes {stable_mosaic.version = 14 : i64} {
  func.func @body(%arg0: i32, %arg1: i32, %arg2: memref<32x80x128xi32, #tpu.memory_space<hbm>>, %arg3: memref<10112x16xf32, #tpu.memory_space<hbm>>, %arg4: memref<128x16xf32, #tpu.memory_space<hbm>>, %arg5: memref<10112x16xf32, #tpu.memory_space<hbm>>, %arg6: memref<10112x16xf32, #tpu.memory_space<hbm>>, %arg7: memref<80x128xi32, #tpu.memory_space<vmem>>, %arg8: memref<128x16xf32, #tpu.memory_space<vmem>>, %arg9: memref<10112x16xf32, #tpu.memory_space<vmem_shared>>, %arg10: memref<!tpu.dma_semaphore, #tpu.memory_space<semaphore_mem>>) attributes {dimension_semantics = [#tpu.dimension_semantics<core_parallel>, #tpu.dimension_semantics<subcore_parallel>], iteration_bounds = array<i64: 2, 16>, scalar_prefetch = 0 : i64, scratch_operands = 4 : i64, tpu.core_type = #tpu.core_type<sc_vector_subcore>, window_params = [{transform_indices = #map}, {transform_indices = #map1}, {transform_indices = #map1}, {transform_indices = #map1}, {transform_indices = #map1}]} {
    %mul3A = arith.constant 16 : i32
    %mul3A_0 = arith.muli %arg0, %mul3A : i32
    %add3A = arith.addi %mul3A_0, %arg1 : i32
    %mul3A_1 = arith.constant 632 : i32
    %mul3A_2 = arith.muli %arg1, %mul3A_1 : i32
    "tpu.region"() ({
      %run_scoped3A = tpu.sem_alloc : memref<!tpu.dma_semaphore, #tpu.memory_space<semaphore_mem>>
      %dma_start3A = arith.constant 0 : i32
      %dma_start3A_16 = tpu.memref_slice %arg9[%mul3A_2, %dma_start3A] : memref<10112x16xf32, #tpu.memory_space<vmem_shared>> -> memref<632x16xf32, #tpu.memory_space<vmem_shared>>
      %dma_start3A_17 = arith.constant 0 : i32
      %dma_start3A_18 = tpu.memref_slice %arg3[%mul3A_2, %dma_start3A_17] : memref<10112x16xf32, #tpu.memory_space<hbm>> -> memref<632x16xf32, #tpu.memory_space<hbm>>
      tpu.enqueue_dma source(%dma_start3A_18 : memref<632x16xf32, #tpu.memory_space<hbm>>) target(%dma_start3A_16 : memref<632x16xf32, #tpu.memory_space<vmem_shared>>) target_semaphore(%run_scoped3A : memref<!tpu.dma_semaphore, #tpu.memory_space<semaphore_mem>>)
      %dma_wait3A = arith.constant 0 : i32
      %dma_wait3A_19 = tpu.memref_slice %arg9[%mul3A_2, %dma_wait3A] : memref<10112x16xf32, #tpu.memory_space<vmem_shared>> -> memref<632x16xf32, #tpu.memory_space<vmem_shared>>
      %dma_wait3A_20 = arith.constant 0 : i32
      %dma_wait3A_21 = tpu.memref_slice %arg3[%mul3A_2, %dma_wait3A_20] : memref<10112x16xf32, #tpu.memory_space<hbm>> -> memref<632x16xf32, #tpu.memory_space<hbm>>
      tpu.wait_dma2 semaphore(%run_scoped3A : memref<!tpu.dma_semaphore, #tpu.memory_space<semaphore_mem>>) src(%dma_wait3A_21 : memref<632x16xf32, #tpu.memory_space<hbm>>) dst(%dma_wait3A_19 : memref<632x16xf32, #tpu.memory_space<vmem_shared>>)
      tpu.yield
    }) : () -> ()
    "tpu.region"() ({
      %run_scoped3A = tpu.sem_alloc : memref<!tpu.dma_semaphore, #tpu.memory_space<semaphore_mem>>
      tpu.enqueue_dma source(%arg4 : memref<128x16xf32, #tpu.memory_space<hbm>>) target(%arg8 : memref<128x16xf32, #tpu.memory_space<vmem>>) target_semaphore(%run_scoped3A : memref<!tpu.dma_semaphore, #tpu.memory_space<semaphore_mem>>)
      tpu.wait_dma2 semaphore(%run_scoped3A : memref<!tpu.dma_semaphore, #tpu.memory_space<semaphore_mem>>) src(%arg4 : memref<128x16xf32, #tpu.memory_space<hbm>>) dst(%arg8 : memref<128x16xf32, #tpu.memory_space<vmem>>)
      tpu.yield
    }) : () -> ()
    "tpu.region"() ({
      %run_scoped3A = tpu.sem_alloc : memref<!tpu.dma_semaphore, #tpu.memory_space<semaphore_mem>>
      %dma_start3A = arith.constant 0 : i32
      %dma_start3A_16 = arith.constant 0 : i32
      %dma_start3A_17 = tpu.memref_slice %arg2[%add3A, %dma_start3A, %dma_start3A_16] : memref<32x80x128xi32, #tpu.memory_space<hbm>> -> memref<1x80x128xi32, #tpu.memory_space<hbm>>
      %dma_start3A_18 = tpu.memref_squeeze %dma_start3A_17 : memref<1x80x128xi32, #tpu.memory_space<hbm>> -> memref<80x128xi32, #tpu.memory_space<hbm>>
      %dma_start3A_19 = arith.constant 0 : i32
      %dma_start3A_20 = arith.constant 0 : i32
      %dma_start3A_21 = tpu.memref_slice %arg2[%add3A, %dma_start3A_19, %dma_start3A_20] : memref<32x80x128xi32, #tpu.memory_space<hbm>> -> memref<1x80x128xi32, #tpu.memory_space<hbm>>
      %dma_start3A_22 = tpu.memref_squeeze %dma_start3A_21 : memref<1x80x128xi32, #tpu.memory_space<hbm>> -> memref<80x128xi32, #tpu.memory_space<hbm>>
      tpu.enqueue_dma source(%dma_start3A_22 : memref<80x128xi32, #tpu.memory_space<hbm>>) target(%arg7 : memref<80x128xi32, #tpu.memory_space<vmem>>) target_semaphore(%run_scoped3A : memref<!tpu.dma_semaphore, #tpu.memory_space<semaphore_mem>>)
      %dma_wait3A = arith.constant 0 : i32
      %dma_wait3A_23 = arith.constant 0 : i32
      %dma_wait3A_24 = tpu.memref_slice %arg2[%add3A, %dma_wait3A, %dma_wait3A_23] : memref<32x80x128xi32, #tpu.memory_space<hbm>> -> memref<1x80x128xi32, #tpu.memory_space<hbm>>
      %dma_wait3A_25 = tpu.memref_squeeze %dma_wait3A_24 : memref<1x80x128xi32, #tpu.memory_space<hbm>> -> memref<80x128xi32, #tpu.memory_space<hbm>>
      %dma_wait3A_26 = arith.constant 0 : i32
      %dma_wait3A_27 = arith.constant 0 : i32
      %dma_wait3A_28 = tpu.memref_slice %arg2[%add3A, %dma_wait3A_26, %dma_wait3A_27] : memref<32x80x128xi32, #tpu.memory_space<hbm>> -> memref<1x80x128xi32, #tpu.memory_space<hbm>>
      %dma_wait3A_29 = tpu.memref_squeeze %dma_wait3A_28 : memref<1x80x128xi32, #tpu.memory_space<hbm>> -> memref<80x128xi32, #tpu.memory_space<hbm>>
      tpu.wait_dma2 semaphore(%run_scoped3A : memref<!tpu.dma_semaphore, #tpu.memory_space<semaphore_mem>>) src(%dma_wait3A_29 : memref<80x128xi32, #tpu.memory_space<hbm>>) dst(%arg7 : memref<80x128xi32, #tpu.memory_space<vmem>>)
      tpu.yield
    }) : () -> ()
    %barrier3A = arith.constant 0 : index
    tpu.barrier barrier_id(%barrier3A)
    %scan3A = arith.constant 0 : i32
    %scan3A_3 = arith.constant 0 : i32
    %scan3A_4 = arith.constant 80 : i32
    %scan3A_5 = arith.addi %scan3A_3, %scan3A_4 : i32
    %scan3A_6 = arith.constant 1 : i32
    scf.for %scan3A_16 = %scan3A_3 to %scan3A_5 step %scan3A_6  : i32 {
      "tpu.region"() ({
        %run_scoped3A = tpu.sem_alloc : memref<!tpu.dma_semaphore, #tpu.memory_space<semaphore_mem>>
        %dma_start3A = arith.constant 0 : i32
        %dma_start3A_17 = tpu.memref_slice %arg7[%scan3A_16, %dma_start3A] : memref<80x128xi32, #tpu.memory_space<vmem>> -> memref<1x128xi32, #tpu.memory_space<vmem>>
        %dma_start3A_18 = tpu.memref_squeeze %dma_start3A_17 : memref<1x128xi32, #tpu.memory_space<vmem>> -> memref<128xi32, #tpu.memory_space<vmem>>
        %dma_start3A_19 = arith.constant 0 : i32
        %dma_start3A_20 = arith.constant 0 : i32
        %dma_start3A_21 = tpu.memref_slice %arg9[%dma_start3A_19, %dma_start3A_20] : memref<10112x16xf32, #tpu.memory_space<vmem_shared>> -> memref<10112x16xf32, #tpu.memory_space<vmem_shared>>
        tpu.enqueue_indirect_dma source(%arg8 : memref<128x16xf32, #tpu.memory_space<vmem>>) target(%dma_start3A_21 : memref<10112x16xf32, #tpu.memory_space<vmem_shared>>) offsets(%dma_start3A_18 : memref<128xi32, #tpu.memory_space<vmem>>) semaphore(%run_scoped3A : memref<!tpu.dma_semaphore, #tpu.memory_space<semaphore_mem>>) {add = true}
        %dma_wait3A = arith.constant 0 : i32
        %dma_wait3A_22 = tpu.memref_slice %arg7[%scan3A_16, %dma_wait3A] : memref<80x128xi32, #tpu.memory_space<vmem>> -> memref<1x128xi32, #tpu.memory_space<vmem>>
        %dma_wait3A_23 = tpu.memref_squeeze %dma_wait3A_22 : memref<1x128xi32, #tpu.memory_space<vmem>> -> memref<128xi32, #tpu.memory_space<vmem>>
        %dma_wait3A_24 = arith.constant 0 : i32
        %dma_wait3A_25 = arith.constant 0 : i32
        %dma_wait3A_26 = tpu.memref_slice %arg9[%dma_wait3A_24, %dma_wait3A_25] : memref<10112x16xf32, #tpu.memory_space<vmem_shared>> -> memref<10112x16xf32, #tpu.memory_space<vmem_shared>>
        tpu.wait_indirect_dma semaphore(%run_scoped3A : memref<!tpu.dma_semaphore, #tpu.memory_space<semaphore_mem>>) src(%arg8 : memref<128x16xf32, #tpu.memory_space<vmem>>) dst(%dma_wait3A_26 : memref<10112x16xf32, #tpu.memory_space<vmem_shared>>)
        tpu.yield
      }) : () -> ()
    }
    %scan3A_7 = arith.constant 80 : i32
    %barrier3A_8 = arith.constant 0 : index
    tpu.barrier barrier_id(%barrier3A_8)
    %eq3A = arith.constant 0 : i32
    %eq3A_9 = arith.cmpi eq, %arg0, %eq3A : i32
    %convert_element_type3A = arith.extui %eq3A_9 : i1 to i32
    %cond3A = arith.constant 0 : i32
    %cond3A_10 = arith.cmpi ne, %convert_element_type3A, %cond3A : i32
    scf.if %cond3A_10 {
      "tpu.region"() ({
        %run_scoped3A = tpu.sem_alloc : memref<!tpu.dma_semaphore, #tpu.memory_space<semaphore_mem>>
        %dma_start3A = arith.constant 0 : i32
        %dma_start3A_16 = tpu.memref_slice %arg5[%mul3A_2, %dma_start3A] : memref<10112x16xf32, #tpu.memory_space<hbm>> -> memref<632x16xf32, #tpu.memory_space<hbm>>
        %dma_start3A_17 = arith.constant 0 : i32
        %dma_start3A_18 = tpu.memref_slice %arg9[%mul3A_2, %dma_start3A_17] : memref<10112x16xf32, #tpu.memory_space<vmem_shared>> -> memref<632x16xf32, #tpu.memory_space<vmem_shared>>
        tpu.enqueue_dma source(%dma_start3A_18 : memref<632x16xf32, #tpu.memory_space<vmem_shared>>) target(%dma_start3A_16 : memref<632x16xf32, #tpu.memory_space<hbm>>) target_semaphore(%run_scoped3A : memref<!tpu.dma_semaphore, #tpu.memory_space<semaphore_mem>>)
        %dma_wait3A = arith.constant 0 : i32
        %dma_wait3A_19 = tpu.memref_slice %arg5[%mul3A_2, %dma_wait3A] : memref<10112x16xf32, #tpu.memory_space<hbm>> -> memref<632x16xf32, #tpu.memory_space<hbm>>
        %dma_wait3A_20 = arith.constant 0 : i32
        %dma_wait3A_21 = tpu.memref_slice %arg9[%mul3A_2, %dma_wait3A_20] : memref<10112x16xf32, #tpu.memory_space<vmem_shared>> -> memref<632x16xf32, #tpu.memory_space<vmem_shared>>
        tpu.wait_dma2 semaphore(%run_scoped3A : memref<!tpu.dma_semaphore, #tpu.memory_space<semaphore_mem>>) src(%dma_wait3A_21 : memref<632x16xf32, #tpu.memory_space<vmem_shared>>) dst(%dma_wait3A_19 : memref<632x16xf32, #tpu.memory_space<hbm>>)
        tpu.yield
      }) : () -> ()
    } else {
    }
    %eq3A_11 = arith.constant 1 : i32
    %eq3A_12 = arith.cmpi eq, %arg0, %eq3A_11 : i32
    %convert_element_type3A_13 = arith.extui %eq3A_12 : i1 to i32
    %cond3A_14 = arith.constant 0 : i32
    %cond3A_15 = arith.cmpi ne, %convert_element_type3A_13, %cond3A_14 : i32
    scf.if %cond3A_15 {
      "tpu.region"() ({
        %run_scoped3A = tpu.sem_alloc : memref<!tpu.dma_semaphore, #tpu.memory_space<semaphore_mem>>
        %dma_start3A = arith.constant 0 : i32
        %dma_start3A_16 = tpu.memref_slice %arg6[%mul3A_2, %dma_start3A] : memref<10112x16xf32, #tpu.memory_space<hbm>> -> memref<632x16xf32, #tpu.memory_space<hbm>>
        %dma_start3A_17 = arith.constant 0 : i32
        %dma_start3A_18 = tpu.memref_slice %arg9[%mul3A_2, %dma_start3A_17] : memref<10112x16xf32, #tpu.memory_space<vmem_shared>> -> memref<632x16xf32, #tpu.memory_space<vmem_shared>>
        tpu.enqueue_dma source(%dma_start3A_18 : memref<632x16xf32, #tpu.memory_space<vmem_shared>>) target(%dma_start3A_16 : memref<632x16xf32, #tpu.memory_space<hbm>>) target_semaphore(%run_scoped3A : memref<!tpu.dma_semaphore, #tpu.memory_space<semaphore_mem>>)
        %dma_wait3A = arith.constant 0 : i32
        %dma_wait3A_19 = tpu.memref_slice %arg6[%mul3A_2, %dma_wait3A] : memref<10112x16xf32, #tpu.memory_space<hbm>> -> memref<632x16xf32, #tpu.memory_space<hbm>>
        %dma_wait3A_20 = arith.constant 0 : i32
        %dma_wait3A_21 = tpu.memref_slice %arg9[%mul3A_2, %dma_wait3A_20] : memref<10112x16xf32, #tpu.memory_space<vmem_shared>> -> memref<632x16xf32, #tpu.memory_space<vmem_shared>>
        tpu.wait_dma2 semaphore(%run_scoped3A : memref<!tpu.dma_semaphore, #tpu.memory_space<semaphore_mem>>) src(%dma_wait3A_21 : memref<632x16xf32, #tpu.memory_space<vmem_shared>>) dst(%dma_wait3A_19 : memref<632x16xf32, #tpu.memory_space<hbm>>)
        tpu.yield
      }) : () -> ()
    } else {
    }
    return
  }
}

#map = affine_map<(d0, d1) -> (0, 0)>
#map1 = affine_map<(d0, d1) -> (0, 0, 0)>
module attributes {stable_mosaic.version = 14 : i64} {
  func.func @body(%arg0: i32, %arg1: i32, %arg2: memref<10000x128xf32, #tpu.memory_space<hbm>>, %arg3: memref<32x80x128xi32, #tpu.memory_space<hbm>>, %arg4: memref<32x80x128xi32, #tpu.memory_space<hbm>>, %arg5: memref<10112x128xf32, #tpu.memory_space<hbm>>, %arg6: memref<10112x128xf32, #tpu.memory_space<hbm>>, %arg7: memref<10112x128xf32, #tpu.memory_space<hbm>>, %arg8: memref<40x128xi32, #tpu.memory_space<vmem>>, %arg9: memref<40x128xi32, #tpu.memory_space<vmem>>, %arg10: memref<128x128xf32, #tpu.memory_space<vmem>>, %arg11: memref<128x128xf32, #tpu.memory_space<vmem>>, %arg12: memref<10112x128xf32, #tpu.memory_space<vmem_shared>>, %arg13: memref<!tpu.dma_semaphore, #tpu.memory_space<semaphore_mem>>, %arg14: memref<!tpu.dma_semaphore, #tpu.memory_space<semaphore_mem>>) attributes {dimension_semantics = [#tpu.dimension_semantics<core_parallel>, #tpu.dimension_semantics<subcore_parallel>], iteration_bounds = array<i64: 2, 16>, scalar_prefetch = 0 : i64, scratch_operands = 7 : i64, tpu.core_type = #tpu.core_type<sc_vector_subcore>, window_params = [{transform_indices = #map}, {transform_indices = #map1}, {transform_indices = #map1}, {transform_indices = #map}, {transform_indices = #map}, {transform_indices = #map}]} {
    %mul3A = arith.constant 16 : i32
    %mul3A_0 = arith.muli %arg0, %mul3A : i32
    %add3A = arith.addi %mul3A_0, %arg1 : i32
    %mul3A_1 = arith.constant 632 : i32
    %mul3A_2 = arith.muli %arg1, %mul3A_1 : i32
    "tpu.region"() ({
      %run_scoped3A = tpu.sem_alloc : memref<!tpu.dma_semaphore, #tpu.memory_space<semaphore_mem>>
      %dma_start3A_35 = arith.constant 0 : i32
      %dma_start3A_36 = tpu.memref_slice %arg12[%mul3A_2, %dma_start3A_35] : memref<10112x128xf32, #tpu.memory_space<vmem_shared>> -> memref<632x128xf32, #tpu.memory_space<vmem_shared>>
      %dma_start3A_37 = arith.constant 0 : i32
      %dma_start3A_38 = tpu.memref_slice %arg5[%mul3A_2, %dma_start3A_37] : memref<10112x128xf32, #tpu.memory_space<hbm>> -> memref<632x128xf32, #tpu.memory_space<hbm>>
      tpu.enqueue_dma source(%dma_start3A_38 : memref<632x128xf32, #tpu.memory_space<hbm>>) target(%dma_start3A_36 : memref<632x128xf32, #tpu.memory_space<vmem_shared>>) target_semaphore(%run_scoped3A : memref<!tpu.dma_semaphore, #tpu.memory_space<semaphore_mem>>)
      %dma_wait3A = arith.constant 0 : i32
      %dma_wait3A_39 = tpu.memref_slice %arg12[%mul3A_2, %dma_wait3A] : memref<10112x128xf32, #tpu.memory_space<vmem_shared>> -> memref<632x128xf32, #tpu.memory_space<vmem_shared>>
      %dma_wait3A_40 = arith.constant 0 : i32
      %dma_wait3A_41 = tpu.memref_slice %arg5[%mul3A_2, %dma_wait3A_40] : memref<10112x128xf32, #tpu.memory_space<hbm>> -> memref<632x128xf32, #tpu.memory_space<hbm>>
      tpu.wait_dma2 semaphore(%run_scoped3A : memref<!tpu.dma_semaphore, #tpu.memory_space<semaphore_mem>>) src(%dma_wait3A_41 : memref<632x128xf32, #tpu.memory_space<hbm>>) dst(%dma_wait3A_39 : memref<632x128xf32, #tpu.memory_space<vmem_shared>>)
      tpu.yield
    }) : () -> ()
    %barrier3A = arith.constant 0 : index
    tpu.barrier barrier_id(%barrier3A)
    "tpu.region"() ({
      %run_scoped3A = tpu.sem_alloc : memref<!tpu.dma_semaphore, #tpu.memory_space<semaphore_mem>>
      %dma_start3A_35 = arith.constant 0 : i32
      %dma_start3A_36 = arith.constant 0 : i32
      %dma_start3A_37 = tpu.memref_slice %arg3[%add3A, %dma_start3A_35, %dma_start3A_36] : memref<32x80x128xi32, #tpu.memory_space<hbm>> -> memref<1x40x128xi32, #tpu.memory_space<hbm>>
      %dma_start3A_38 = tpu.memref_squeeze %dma_start3A_37 : memref<1x40x128xi32, #tpu.memory_space<hbm>> -> memref<40x128xi32, #tpu.memory_space<hbm>>
      %dma_start3A_39 = arith.constant 0 : i32
      %dma_start3A_40 = arith.constant 0 : i32
      %dma_start3A_41 = tpu.memref_slice %arg3[%add3A, %dma_start3A_39, %dma_start3A_40] : memref<32x80x128xi32, #tpu.memory_space<hbm>> -> memref<1x40x128xi32, #tpu.memory_space<hbm>>
      %dma_start3A_42 = tpu.memref_squeeze %dma_start3A_41 : memref<1x40x128xi32, #tpu.memory_space<hbm>> -> memref<40x128xi32, #tpu.memory_space<hbm>>
      tpu.enqueue_dma source(%dma_start3A_42 : memref<40x128xi32, #tpu.memory_space<hbm>>) target(%arg8 : memref<40x128xi32, #tpu.memory_space<vmem>>) target_semaphore(%run_scoped3A : memref<!tpu.dma_semaphore, #tpu.memory_space<semaphore_mem>>)
      %dma_wait3A = arith.constant 0 : i32
      %dma_wait3A_43 = arith.constant 0 : i32
      %dma_wait3A_44 = tpu.memref_slice %arg3[%add3A, %dma_wait3A, %dma_wait3A_43] : memref<32x80x128xi32, #tpu.memory_space<hbm>> -> memref<1x40x128xi32, #tpu.memory_space<hbm>>
      %dma_wait3A_45 = tpu.memref_squeeze %dma_wait3A_44 : memref<1x40x128xi32, #tpu.memory_space<hbm>> -> memref<40x128xi32, #tpu.memory_space<hbm>>
      %dma_wait3A_46 = arith.constant 0 : i32
      %dma_wait3A_47 = arith.constant 0 : i32
      %dma_wait3A_48 = tpu.memref_slice %arg3[%add3A, %dma_wait3A_46, %dma_wait3A_47] : memref<32x80x128xi32, #tpu.memory_space<hbm>> -> memref<1x40x128xi32, #tpu.memory_space<hbm>>
      %dma_wait3A_49 = tpu.memref_squeeze %dma_wait3A_48 : memref<1x40x128xi32, #tpu.memory_space<hbm>> -> memref<40x128xi32, #tpu.memory_space<hbm>>
      tpu.wait_dma2 semaphore(%run_scoped3A : memref<!tpu.dma_semaphore, #tpu.memory_space<semaphore_mem>>) src(%dma_wait3A_49 : memref<40x128xi32, #tpu.memory_space<hbm>>) dst(%arg8 : memref<40x128xi32, #tpu.memory_space<vmem>>)
      tpu.yield
    }) : () -> ()
    "tpu.region"() ({
      %run_scoped3A = tpu.sem_alloc : memref<!tpu.dma_semaphore, #tpu.memory_space<semaphore_mem>>
      %dma_start3A_35 = arith.constant 0 : i32
      %dma_start3A_36 = arith.constant 0 : i32
      %dma_start3A_37 = tpu.memref_slice %arg4[%add3A, %dma_start3A_35, %dma_start3A_36] : memref<32x80x128xi32, #tpu.memory_space<hbm>> -> memref<1x40x128xi32, #tpu.memory_space<hbm>>
      %dma_start3A_38 = tpu.memref_squeeze %dma_start3A_37 : memref<1x40x128xi32, #tpu.memory_space<hbm>> -> memref<40x128xi32, #tpu.memory_space<hbm>>
      %dma_start3A_39 = arith.constant 0 : i32
      %dma_start3A_40 = arith.constant 0 : i32
      %dma_start3A_41 = tpu.memref_slice %arg4[%add3A, %dma_start3A_39, %dma_start3A_40] : memref<32x80x128xi32, #tpu.memory_space<hbm>> -> memref<1x40x128xi32, #tpu.memory_space<hbm>>
      %dma_start3A_42 = tpu.memref_squeeze %dma_start3A_41 : memref<1x40x128xi32, #tpu.memory_space<hbm>> -> memref<40x128xi32, #tpu.memory_space<hbm>>
      tpu.enqueue_dma source(%dma_start3A_42 : memref<40x128xi32, #tpu.memory_space<hbm>>) target(%arg9 : memref<40x128xi32, #tpu.memory_space<vmem>>) target_semaphore(%run_scoped3A : memref<!tpu.dma_semaphore, #tpu.memory_space<semaphore_mem>>)
      %dma_wait3A = arith.constant 0 : i32
      %dma_wait3A_43 = arith.constant 0 : i32
      %dma_wait3A_44 = tpu.memref_slice %arg4[%add3A, %dma_wait3A, %dma_wait3A_43] : memref<32x80x128xi32, #tpu.memory_space<hbm>> -> memref<1x40x128xi32, #tpu.memory_space<hbm>>
      %dma_wait3A_45 = tpu.memref_squeeze %dma_wait3A_44 : memref<1x40x128xi32, #tpu.memory_space<hbm>> -> memref<40x128xi32, #tpu.memory_space<hbm>>
      %dma_wait3A_46 = arith.constant 0 : i32
      %dma_wait3A_47 = arith.constant 0 : i32
      %dma_wait3A_48 = tpu.memref_slice %arg4[%add3A, %dma_wait3A_46, %dma_wait3A_47] : memref<32x80x128xi32, #tpu.memory_space<hbm>> -> memref<1x40x128xi32, #tpu.memory_space<hbm>>
      %dma_wait3A_49 = tpu.memref_squeeze %dma_wait3A_48 : memref<1x40x128xi32, #tpu.memory_space<hbm>> -> memref<40x128xi32, #tpu.memory_space<hbm>>
      tpu.wait_dma2 semaphore(%run_scoped3A : memref<!tpu.dma_semaphore, #tpu.memory_space<semaphore_mem>>) src(%dma_wait3A_49 : memref<40x128xi32, #tpu.memory_space<hbm>>) dst(%arg9 : memref<40x128xi32, #tpu.memory_space<vmem>>)
      tpu.yield
    }) : () -> ()
    %dma_start3A = arith.constant 0 : i32
    %dma_start3A_3 = arith.constant 0 : i32
    %dma_start3A_4 = tpu.memref_slice %arg8[%dma_start3A, %dma_start3A_3] : memref<40x128xi32, #tpu.memory_space<vmem>> -> memref<1x128xi32, #tpu.memory_space<vmem>>
    %dma_start3A_5 = tpu.memref_squeeze %dma_start3A_4 : memref<1x128xi32, #tpu.memory_space<vmem>> -> memref<128xi32, #tpu.memory_space<vmem>>
    %dma_start3A_6 = arith.constant 0 : i32
    %dma_start3A_7 = arith.constant 0 : i32
    %dma_start3A_8 = tpu.memref_slice %arg2[%dma_start3A_6, %dma_start3A_7] : memref<10000x128xf32, #tpu.memory_space<hbm>> -> memref<10000x128xf32, #tpu.memory_space<hbm>>
    tpu.enqueue_indirect_dma source(%dma_start3A_8 : memref<10000x128xf32, #tpu.memory_space<hbm>>) target(%arg10 : memref<128x128xf32, #tpu.memory_space<vmem>>) offsets(%dma_start3A_5 : memref<128xi32, #tpu.memory_space<vmem>>) semaphore(%arg13 : memref<!tpu.dma_semaphore, #tpu.memory_space<semaphore_mem>>)
    %scan3A = arith.constant 0 : i32
    %scan3A_9 = arith.constant 0 : i32
    %scan3A_10 = arith.constant 20 : i32
    %scan3A_11 = arith.addi %scan3A_9, %scan3A_10 : i32
    %scan3A_12 = arith.constant 1 : i32
    scf.for %scan3A_35 = %scan3A_9 to %scan3A_11 step %scan3A_12  : i32 {
      %mul3A_36 = arith.constant 2 : i32
      %mul3A_37 = arith.muli %mul3A_36, %scan3A_35 : i32
      %dma_wait3A = arith.constant 0 : i32
      %dma_wait3A_38 = tpu.memref_slice %arg8[%mul3A_37, %dma_wait3A] : memref<40x128xi32, #tpu.memory_space<vmem>> -> memref<1x128xi32, #tpu.memory_space<vmem>>
      %dma_wait3A_39 = tpu.memref_squeeze %dma_wait3A_38 : memref<1x128xi32, #tpu.memory_space<vmem>> -> memref<128xi32, #tpu.memory_space<vmem>>
      %dma_wait3A_40 = arith.constant 0 : i32
      %dma_wait3A_41 = arith.constant 0 : i32
      %dma_wait3A_42 = tpu.memref_slice %arg2[%dma_wait3A_40, %dma_wait3A_41] : memref<10000x128xf32, #tpu.memory_space<hbm>> -> memref<10000x128xf32, #tpu.memory_space<hbm>>
      tpu.wait_indirect_dma semaphore(%arg13 : memref<!tpu.dma_semaphore, #tpu.memory_space<semaphore_mem>>) src(%dma_wait3A_42 : memref<10000x128xf32, #tpu.memory_space<hbm>>) dst(%arg10 : memref<128x128xf32, #tpu.memory_space<vmem>>)
      %add3A_43 = arith.constant 1 : i32
      %add3A_44 = arith.addi %mul3A_37, %add3A_43 : i32
      %dma_start3A_45 = arith.constant 0 : i32
      %dma_start3A_46 = tpu.memref_slice %arg8[%add3A_44, %dma_start3A_45] : memref<40x128xi32, #tpu.memory_space<vmem>> -> memref<1x128xi32, #tpu.memory_space<vmem>>
      %dma_start3A_47 = tpu.memref_squeeze %dma_start3A_46 : memref<1x128xi32, #tpu.memory_space<vmem>> -> memref<128xi32, #tpu.memory_space<vmem>>
      %dma_start3A_48 = arith.constant 0 : i32
      %dma_start3A_49 = arith.constant 0 : i32
      %dma_start3A_50 = tpu.memref_slice %arg2[%dma_start3A_48, %dma_start3A_49] : memref<10000x128xf32, #tpu.memory_space<hbm>> -> memref<10000x128xf32, #tpu.memory_space<hbm>>
      tpu.enqueue_indirect_dma source(%dma_start3A_50 : memref<10000x128xf32, #tpu.memory_space<hbm>>) target(%arg11 : memref<128x128xf32, #tpu.memory_space<vmem>>) offsets(%dma_start3A_47 : memref<128xi32, #tpu.memory_space<vmem>>) semaphore(%arg14 : memref<!tpu.dma_semaphore, #tpu.memory_space<semaphore_mem>>)
      "tpu.region"() ({
        %run_scoped3A = tpu.sem_alloc : memref<!tpu.dma_semaphore, #tpu.memory_space<semaphore_mem>>
        %dma_start3A_67 = arith.constant 0 : i32
        %dma_start3A_68 = tpu.memref_slice %arg9[%mul3A_37, %dma_start3A_67] : memref<40x128xi32, #tpu.memory_space<vmem>> -> memref<1x128xi32, #tpu.memory_space<vmem>>
        %dma_start3A_69 = tpu.memref_squeeze %dma_start3A_68 : memref<1x128xi32, #tpu.memory_space<vmem>> -> memref<128xi32, #tpu.memory_space<vmem>>
        %dma_start3A_70 = arith.constant 0 : i32
        %dma_start3A_71 = arith.constant 0 : i32
        %dma_start3A_72 = tpu.memref_slice %arg12[%dma_start3A_70, %dma_start3A_71] : memref<10112x128xf32, #tpu.memory_space<vmem_shared>> -> memref<10112x128xf32, #tpu.memory_space<vmem_shared>>
        tpu.enqueue_indirect_dma source(%arg10 : memref<128x128xf32, #tpu.memory_space<vmem>>) target(%dma_start3A_72 : memref<10112x128xf32, #tpu.memory_space<vmem_shared>>) offsets(%dma_start3A_69 : memref<128xi32, #tpu.memory_space<vmem>>) semaphore(%run_scoped3A : memref<!tpu.dma_semaphore, #tpu.memory_space<semaphore_mem>>) {add = true}
        %dma_wait3A_73 = arith.constant 0 : i32
        %dma_wait3A_74 = tpu.memref_slice %arg9[%mul3A_37, %dma_wait3A_73] : memref<40x128xi32, #tpu.memory_space<vmem>> -> memref<1x128xi32, #tpu.memory_space<vmem>>
        %dma_wait3A_75 = tpu.memref_squeeze %dma_wait3A_74 : memref<1x128xi32, #tpu.memory_space<vmem>> -> memref<128xi32, #tpu.memory_space<vmem>>
        %dma_wait3A_76 = arith.constant 0 : i32
        %dma_wait3A_77 = arith.constant 0 : i32
        %dma_wait3A_78 = tpu.memref_slice %arg12[%dma_wait3A_76, %dma_wait3A_77] : memref<10112x128xf32, #tpu.memory_space<vmem_shared>> -> memref<10112x128xf32, #tpu.memory_space<vmem_shared>>
        tpu.wait_indirect_dma semaphore(%run_scoped3A : memref<!tpu.dma_semaphore, #tpu.memory_space<semaphore_mem>>) src(%arg10 : memref<128x128xf32, #tpu.memory_space<vmem>>) dst(%dma_wait3A_78 : memref<10112x128xf32, #tpu.memory_space<vmem_shared>>)
        tpu.yield
      }) : () -> ()
      %add3A_51 = arith.constant 1 : i32
      %add3A_52 = arith.addi %mul3A_37, %add3A_51 : i32
      %dma_wait3A_53 = arith.constant 0 : i32
      %dma_wait3A_54 = tpu.memref_slice %arg8[%add3A_52, %dma_wait3A_53] : memref<40x128xi32, #tpu.memory_space<vmem>> -> memref<1x128xi32, #tpu.memory_space<vmem>>
      %dma_wait3A_55 = tpu.memref_squeeze %dma_wait3A_54 : memref<1x128xi32, #tpu.memory_space<vmem>> -> memref<128xi32, #tpu.memory_space<vmem>>
      %dma_wait3A_56 = arith.constant 0 : i32
      %dma_wait3A_57 = arith.constant 0 : i32
      %dma_wait3A_58 = tpu.memref_slice %arg2[%dma_wait3A_56, %dma_wait3A_57] : memref<10000x128xf32, #tpu.memory_space<hbm>> -> memref<10000x128xf32, #tpu.memory_space<hbm>>
      tpu.wait_indirect_dma semaphore(%arg14 : memref<!tpu.dma_semaphore, #tpu.memory_space<semaphore_mem>>) src(%dma_wait3A_58 : memref<10000x128xf32, #tpu.memory_space<hbm>>) dst(%arg11 : memref<128x128xf32, #tpu.memory_space<vmem>>)
      %add3A_59 = arith.constant 2 : i32
      %add3A_60 = arith.addi %mul3A_37, %add3A_59 : i32
      %lt3A = arith.constant 40 : i32
      %lt3A_61 = arith.cmpi slt, %add3A_60, %lt3A : i32
      %convert_element_type3A_62 = arith.extui %lt3A_61 : i1 to i32
      %cond3A_63 = arith.constant 0 : i32
      %cond3A_64 = arith.cmpi ne, %convert_element_type3A_62, %cond3A_63 : i32
      scf.if %cond3A_64 {
        %add3A_67 = arith.constant 2 : i32
        %add3A_68 = arith.addi %mul3A_37, %add3A_67 : i32
        %dma_start3A_69 = arith.constant 0 : i32
        %dma_start3A_70 = tpu.memref_slice %arg8[%add3A_68, %dma_start3A_69] : memref<40x128xi32, #tpu.memory_space<vmem>> -> memref<1x128xi32, #tpu.memory_space<vmem>>
        %dma_start3A_71 = tpu.memref_squeeze %dma_start3A_70 : memref<1x128xi32, #tpu.memory_space<vmem>> -> memref<128xi32, #tpu.memory_space<vmem>>
        %dma_start3A_72 = arith.constant 0 : i32
        %dma_start3A_73 = arith.constant 0 : i32
        %dma_start3A_74 = tpu.memref_slice %arg2[%dma_start3A_72, %dma_start3A_73] : memref<10000x128xf32, #tpu.memory_space<hbm>> -> memref<10000x128xf32, #tpu.memory_space<hbm>>
        tpu.enqueue_indirect_dma source(%dma_start3A_74 : memref<10000x128xf32, #tpu.memory_space<hbm>>) target(%arg10 : memref<128x128xf32, #tpu.memory_space<vmem>>) offsets(%dma_start3A_71 : memref<128xi32, #tpu.memory_space<vmem>>) semaphore(%arg13 : memref<!tpu.dma_semaphore, #tpu.memory_space<semaphore_mem>>)
      } else {
      }
      %add3A_65 = arith.constant 1 : i32
      %add3A_66 = arith.addi %mul3A_37, %add3A_65 : i32
      "tpu.region"() ({
        %run_scoped3A = tpu.sem_alloc : memref<!tpu.dma_semaphore, #tpu.memory_space<semaphore_mem>>
        %dma_start3A_67 = arith.constant 0 : i32
        %dma_start3A_68 = tpu.memref_slice %arg9[%add3A_66, %dma_start3A_67] : memref<40x128xi32, #tpu.memory_space<vmem>> -> memref<1x128xi32, #tpu.memory_space<vmem>>
        %dma_start3A_69 = tpu.memref_squeeze %dma_start3A_68 : memref<1x128xi32, #tpu.memory_space<vmem>> -> memref<128xi32, #tpu.memory_space<vmem>>
        %dma_start3A_70 = arith.constant 0 : i32
        %dma_start3A_71 = arith.constant 0 : i32
        %dma_start3A_72 = tpu.memref_slice %arg12[%dma_start3A_70, %dma_start3A_71] : memref<10112x128xf32, #tpu.memory_space<vmem_shared>> -> memref<10112x128xf32, #tpu.memory_space<vmem_shared>>
        tpu.enqueue_indirect_dma source(%arg11 : memref<128x128xf32, #tpu.memory_space<vmem>>) target(%dma_start3A_72 : memref<10112x128xf32, #tpu.memory_space<vmem_shared>>) offsets(%dma_start3A_69 : memref<128xi32, #tpu.memory_space<vmem>>) semaphore(%run_scoped3A : memref<!tpu.dma_semaphore, #tpu.memory_space<semaphore_mem>>) {add = true}
        %dma_wait3A_73 = arith.constant 0 : i32
        %dma_wait3A_74 = tpu.memref_slice %arg9[%add3A_66, %dma_wait3A_73] : memref<40x128xi32, #tpu.memory_space<vmem>> -> memref<1x128xi32, #tpu.memory_space<vmem>>
        %dma_wait3A_75 = tpu.memref_squeeze %dma_wait3A_74 : memref<1x128xi32, #tpu.memory_space<vmem>> -> memref<128xi32, #tpu.memory_space<vmem>>
        %dma_wait3A_76 = arith.constant 0 : i32
        %dma_wait3A_77 = arith.constant 0 : i32
        %dma_wait3A_78 = tpu.memref_slice %arg12[%dma_wait3A_76, %dma_wait3A_77] : memref<10112x128xf32, #tpu.memory_space<vmem_shared>> -> memref<10112x128xf32, #tpu.memory_space<vmem_shared>>
        tpu.wait_indirect_dma semaphore(%run_scoped3A : memref<!tpu.dma_semaphore, #tpu.memory_space<semaphore_mem>>) src(%arg11 : memref<128x128xf32, #tpu.memory_space<vmem>>) dst(%dma_wait3A_78 : memref<10112x128xf32, #tpu.memory_space<vmem_shared>>)
        tpu.yield
      }) : () -> ()
    }
    %scan3A_13 = arith.constant 20 : i32
    "tpu.region"() ({
      %run_scoped3A = tpu.sem_alloc : memref<!tpu.dma_semaphore, #tpu.memory_space<semaphore_mem>>
      %dma_start3A_35 = arith.constant 40 : i32
      %dma_start3A_36 = arith.constant 0 : i32
      %dma_start3A_37 = tpu.memref_slice %arg3[%add3A, %dma_start3A_35, %dma_start3A_36] : memref<32x80x128xi32, #tpu.memory_space<hbm>> -> memref<1x40x128xi32, #tpu.memory_space<hbm>>
      %dma_start3A_38 = tpu.memref_squeeze %dma_start3A_37 : memref<1x40x128xi32, #tpu.memory_space<hbm>> -> memref<40x128xi32, #tpu.memory_space<hbm>>
      %dma_start3A_39 = arith.constant 40 : i32
      %dma_start3A_40 = arith.constant 0 : i32
      %dma_start3A_41 = tpu.memref_slice %arg3[%add3A, %dma_start3A_39, %dma_start3A_40] : memref<32x80x128xi32, #tpu.memory_space<hbm>> -> memref<1x40x128xi32, #tpu.memory_space<hbm>>
      %dma_start3A_42 = tpu.memref_squeeze %dma_start3A_41 : memref<1x40x128xi32, #tpu.memory_space<hbm>> -> memref<40x128xi32, #tpu.memory_space<hbm>>
      tpu.enqueue_dma source(%dma_start3A_42 : memref<40x128xi32, #tpu.memory_space<hbm>>) target(%arg8 : memref<40x128xi32, #tpu.memory_space<vmem>>) target_semaphore(%run_scoped3A : memref<!tpu.dma_semaphore, #tpu.memory_space<semaphore_mem>>)
      %dma_wait3A = arith.constant 40 : i32
      %dma_wait3A_43 = arith.constant 0 : i32
      %dma_wait3A_44 = tpu.memref_slice %arg3[%add3A, %dma_wait3A, %dma_wait3A_43] : memref<32x80x128xi32, #tpu.memory_space<hbm>> -> memref<1x40x128xi32, #tpu.memory_space<hbm>>
      %dma_wait3A_45 = tpu.memref_squeeze %dma_wait3A_44 : memref<1x40x128xi32, #tpu.memory_space<hbm>> -> memref<40x128xi32, #tpu.memory_space<hbm>>
      %dma_wait3A_46 = arith.constant 40 : i32
      %dma_wait3A_47 = arith.constant 0 : i32
      %dma_wait3A_48 = tpu.memref_slice %arg3[%add3A, %dma_wait3A_46, %dma_wait3A_47] : memref<32x80x128xi32, #tpu.memory_space<hbm>> -> memref<1x40x128xi32, #tpu.memory_space<hbm>>
      %dma_wait3A_49 = tpu.memref_squeeze %dma_wait3A_48 : memref<1x40x128xi32, #tpu.memory_space<hbm>> -> memref<40x128xi32, #tpu.memory_space<hbm>>
      tpu.wait_dma2 semaphore(%run_scoped3A : memref<!tpu.dma_semaphore, #tpu.memory_space<semaphore_mem>>) src(%dma_wait3A_49 : memref<40x128xi32, #tpu.memory_space<hbm>>) dst(%arg8 : memref<40x128xi32, #tpu.memory_space<vmem>>)
      tpu.yield
    }) : () -> ()
    "tpu.region"() ({
      %run_scoped3A = tpu.sem_alloc : memref<!tpu.dma_semaphore, #tpu.memory_space<semaphore_mem>>
      %dma_start3A_35 = arith.constant 40 : i32
      %dma_start3A_36 = arith.constant 0 : i32
      %dma_start3A_37 = tpu.memref_slice %arg4[%add3A, %dma_start3A_35, %dma_start3A_36] : memref<32x80x128xi32, #tpu.memory_space<hbm>> -> memref<1x40x128xi32, #tpu.memory_space<hbm>>
      %dma_start3A_38 = tpu.memref_squeeze %dma_start3A_37 : memref<1x40x128xi32, #tpu.memory_space<hbm>> -> memref<40x128xi32, #tpu.memory_space<hbm>>
      %dma_start3A_39 = arith.constant 40 : i32
      %dma_start3A_40 = arith.constant 0 : i32
      %dma_start3A_41 = tpu.memref_slice %arg4[%add3A, %dma_start3A_39, %dma_start3A_40] : memref<32x80x128xi32, #tpu.memory_space<hbm>> -> memref<1x40x128xi32, #tpu.memory_space<hbm>>
      %dma_start3A_42 = tpu.memref_squeeze %dma_start3A_41 : memref<1x40x128xi32, #tpu.memory_space<hbm>> -> memref<40x128xi32, #tpu.memory_space<hbm>>
      tpu.enqueue_dma source(%dma_start3A_42 : memref<40x128xi32, #tpu.memory_space<hbm>>) target(%arg9 : memref<40x128xi32, #tpu.memory_space<vmem>>) target_semaphore(%run_scoped3A : memref<!tpu.dma_semaphore, #tpu.memory_space<semaphore_mem>>)
      %dma_wait3A = arith.constant 40 : i32
      %dma_wait3A_43 = arith.constant 0 : i32
      %dma_wait3A_44 = tpu.memref_slice %arg4[%add3A, %dma_wait3A, %dma_wait3A_43] : memref<32x80x128xi32, #tpu.memory_space<hbm>> -> memref<1x40x128xi32, #tpu.memory_space<hbm>>
      %dma_wait3A_45 = tpu.memref_squeeze %dma_wait3A_44 : memref<1x40x128xi32, #tpu.memory_space<hbm>> -> memref<40x128xi32, #tpu.memory_space<hbm>>
      %dma_wait3A_46 = arith.constant 40 : i32
      %dma_wait3A_47 = arith.constant 0 : i32
      %dma_wait3A_48 = tpu.memref_slice %arg4[%add3A, %dma_wait3A_46, %dma_wait3A_47] : memref<32x80x128xi32, #tpu.memory_space<hbm>> -> memref<1x40x128xi32, #tpu.memory_space<hbm>>
      %dma_wait3A_49 = tpu.memref_squeeze %dma_wait3A_48 : memref<1x40x128xi32, #tpu.memory_space<hbm>> -> memref<40x128xi32, #tpu.memory_space<hbm>>
      tpu.wait_dma2 semaphore(%run_scoped3A : memref<!tpu.dma_semaphore, #tpu.memory_space<semaphore_mem>>) src(%dma_wait3A_49 : memref<40x128xi32, #tpu.memory_space<hbm>>) dst(%arg9 : memref<40x128xi32, #tpu.memory_space<vmem>>)
      tpu.yield
    }) : () -> ()
    %dma_start3A_14 = arith.constant 0 : i32
    %dma_start3A_15 = arith.constant 0 : i32
    %dma_start3A_16 = tpu.memref_slice %arg8[%dma_start3A_14, %dma_start3A_15] : memref<40x128xi32, #tpu.memory_space<vmem>> -> memref<1x128xi32, #tpu.memory_space<vmem>>
    %dma_start3A_17 = tpu.memref_squeeze %dma_start3A_16 : memref<1x128xi32, #tpu.memory_space<vmem>> -> memref<128xi32, #tpu.memory_space<vmem>>
    %dma_start3A_18 = arith.constant 0 : i32
    %dma_start3A_19 = arith.constant 0 : i32
    %dma_start3A_20 = tpu.memref_slice %arg2[%dma_start3A_18, %dma_start3A_19] : memref<10000x128xf32, #tpu.memory_space<hbm>> -> memref<10000x128xf32, #tpu.memory_space<hbm>>
    tpu.enqueue_indirect_dma source(%dma_start3A_20 : memref<10000x128xf32, #tpu.memory_space<hbm>>) target(%arg10 : memref<128x128xf32, #tpu.memory_space<vmem>>) offsets(%dma_start3A_17 : memref<128xi32, #tpu.memory_space<vmem>>) semaphore(%arg13 : memref<!tpu.dma_semaphore, #tpu.memory_space<semaphore_mem>>)
    %scan3A_21 = arith.constant 0 : i32
    %scan3A_22 = arith.constant 0 : i32
    %scan3A_23 = arith.constant 20 : i32
    %scan3A_24 = arith.addi %scan3A_22, %scan3A_23 : i32
    %scan3A_25 = arith.constant 1 : i32
    scf.for %scan3A_35 = %scan3A_22 to %scan3A_24 step %scan3A_25  : i32 {
      %mul3A_36 = arith.constant 2 : i32
      %mul3A_37 = arith.muli %mul3A_36, %scan3A_35 : i32
      %dma_wait3A = arith.constant 0 : i32
      %dma_wait3A_38 = tpu.memref_slice %arg8[%mul3A_37, %dma_wait3A] : memref<40x128xi32, #tpu.memory_space<vmem>> -> memref<1x128xi32, #tpu.memory_space<vmem>>
      %dma_wait3A_39 = tpu.memref_squeeze %dma_wait3A_38 : memref<1x128xi32, #tpu.memory_space<vmem>> -> memref<128xi32, #tpu.memory_space<vmem>>
      %dma_wait3A_40 = arith.constant 0 : i32
      %dma_wait3A_41 = arith.constant 0 : i32
      %dma_wait3A_42 = tpu.memref_slice %arg2[%dma_wait3A_40, %dma_wait3A_41] : memref<10000x128xf32, #tpu.memory_space<hbm>> -> memref<10000x128xf32, #tpu.memory_space<hbm>>
      tpu.wait_indirect_dma semaphore(%arg13 : memref<!tpu.dma_semaphore, #tpu.memory_space<semaphore_mem>>) src(%dma_wait3A_42 : memref<10000x128xf32, #tpu.memory_space<hbm>>) dst(%arg10 : memref<128x128xf32, #tpu.memory_space<vmem>>)
      %add3A_43 = arith.constant 1 : i32
      %add3A_44 = arith.addi %mul3A_37, %add3A_43 : i32
      %dma_start3A_45 = arith.constant 0 : i32
      %dma_start3A_46 = tpu.memref_slice %arg8[%add3A_44, %dma_start3A_45] : memref<40x128xi32, #tpu.memory_space<vmem>> -> memref<1x128xi32, #tpu.memory_space<vmem>>
      %dma_start3A_47 = tpu.memref_squeeze %dma_start3A_46 : memref<1x128xi32, #tpu.memory_space<vmem>> -> memref<128xi32, #tpu.memory_space<vmem>>
      %dma_start3A_48 = arith.constant 0 : i32
      %dma_start3A_49 = arith.constant 0 : i32
      %dma_start3A_50 = tpu.memref_slice %arg2[%dma_start3A_48, %dma_start3A_49] : memref<10000x128xf32, #tpu.memory_space<hbm>> -> memref<10000x128xf32, #tpu.memory_space<hbm>>
      tpu.enqueue_indirect_dma source(%dma_start3A_50 : memref<10000x128xf32, #tpu.memory_space<hbm>>) target(%arg11 : memref<128x128xf32, #tpu.memory_space<vmem>>) offsets(%dma_start3A_47 : memref<128xi32, #tpu.memory_space<vmem>>) semaphore(%arg14 : memref<!tpu.dma_semaphore, #tpu.memory_space<semaphore_mem>>)
      "tpu.region"() ({
        %run_scoped3A = tpu.sem_alloc : memref<!tpu.dma_semaphore, #tpu.memory_space<semaphore_mem>>
        %dma_start3A_67 = arith.constant 0 : i32
        %dma_start3A_68 = tpu.memref_slice %arg9[%mul3A_37, %dma_start3A_67] : memref<40x128xi32, #tpu.memory_space<vmem>> -> memref<1x128xi32, #tpu.memory_space<vmem>>
        %dma_start3A_69 = tpu.memref_squeeze %dma_start3A_68 : memref<1x128xi32, #tpu.memory_space<vmem>> -> memref<128xi32, #tpu.memory_space<vmem>>
        %dma_start3A_70 = arith.constant 0 : i32
        %dma_start3A_71 = arith.constant 0 : i32
        %dma_start3A_72 = tpu.memref_slice %arg12[%dma_start3A_70, %dma_start3A_71] : memref<10112x128xf32, #tpu.memory_space<vmem_shared>> -> memref<10112x128xf32, #tpu.memory_space<vmem_shared>>
        tpu.enqueue_indirect_dma source(%arg10 : memref<128x128xf32, #tpu.memory_space<vmem>>) target(%dma_start3A_72 : memref<10112x128xf32, #tpu.memory_space<vmem_shared>>) offsets(%dma_start3A_69 : memref<128xi32, #tpu.memory_space<vmem>>) semaphore(%run_scoped3A : memref<!tpu.dma_semaphore, #tpu.memory_space<semaphore_mem>>) {add = true}
        %dma_wait3A_73 = arith.constant 0 : i32
        %dma_wait3A_74 = tpu.memref_slice %arg9[%mul3A_37, %dma_wait3A_73] : memref<40x128xi32, #tpu.memory_space<vmem>> -> memref<1x128xi32, #tpu.memory_space<vmem>>
        %dma_wait3A_75 = tpu.memref_squeeze %dma_wait3A_74 : memref<1x128xi32, #tpu.memory_space<vmem>> -> memref<128xi32, #tpu.memory_space<vmem>>
        %dma_wait3A_76 = arith.constant 0 : i32
        %dma_wait3A_77 = arith.constant 0 : i32
        %dma_wait3A_78 = tpu.memref_slice %arg12[%dma_wait3A_76, %dma_wait3A_77] : memref<10112x128xf32, #tpu.memory_space<vmem_shared>> -> memref<10112x128xf32, #tpu.memory_space<vmem_shared>>
        tpu.wait_indirect_dma semaphore(%run_scoped3A : memref<!tpu.dma_semaphore, #tpu.memory_space<semaphore_mem>>) src(%arg10 : memref<128x128xf32, #tpu.memory_space<vmem>>) dst(%dma_wait3A_78 : memref<10112x128xf32, #tpu.memory_space<vmem_shared>>)
        tpu.yield
      }) : () -> ()
      %add3A_51 = arith.constant 1 : i32
      %add3A_52 = arith.addi %mul3A_37, %add3A_51 : i32
      %dma_wait3A_53 = arith.constant 0 : i32
      %dma_wait3A_54 = tpu.memref_slice %arg8[%add3A_52, %dma_wait3A_53] : memref<40x128xi32, #tpu.memory_space<vmem>> -> memref<1x128xi32, #tpu.memory_space<vmem>>
      %dma_wait3A_55 = tpu.memref_squeeze %dma_wait3A_54 : memref<1x128xi32, #tpu.memory_space<vmem>> -> memref<128xi32, #tpu.memory_space<vmem>>
      %dma_wait3A_56 = arith.constant 0 : i32
      %dma_wait3A_57 = arith.constant 0 : i32
      %dma_wait3A_58 = tpu.memref_slice %arg2[%dma_wait3A_56, %dma_wait3A_57] : memref<10000x128xf32, #tpu.memory_space<hbm>> -> memref<10000x128xf32, #tpu.memory_space<hbm>>
      tpu.wait_indirect_dma semaphore(%arg14 : memref<!tpu.dma_semaphore, #tpu.memory_space<semaphore_mem>>) src(%dma_wait3A_58 : memref<10000x128xf32, #tpu.memory_space<hbm>>) dst(%arg11 : memref<128x128xf32, #tpu.memory_space<vmem>>)
      %add3A_59 = arith.constant 2 : i32
      %add3A_60 = arith.addi %mul3A_37, %add3A_59 : i32
      %lt3A = arith.constant 40 : i32
      %lt3A_61 = arith.cmpi slt, %add3A_60, %lt3A : i32
      %convert_element_type3A_62 = arith.extui %lt3A_61 : i1 to i32
      %cond3A_63 = arith.constant 0 : i32
      %cond3A_64 = arith.cmpi ne, %convert_element_type3A_62, %cond3A_63 : i32
      scf.if %cond3A_64 {
        %add3A_67 = arith.constant 2 : i32
        %add3A_68 = arith.addi %mul3A_37, %add3A_67 : i32
        %dma_start3A_69 = arith.constant 0 : i32
        %dma_start3A_70 = tpu.memref_slice %arg8[%add3A_68, %dma_start3A_69] : memref<40x128xi32, #tpu.memory_space<vmem>> -> memref<1x128xi32, #tpu.memory_space<vmem>>
        %dma_start3A_71 = tpu.memref_squeeze %dma_start3A_70 : memref<1x128xi32, #tpu.memory_space<vmem>> -> memref<128xi32, #tpu.memory_space<vmem>>
        %dma_start3A_72 = arith.constant 0 : i32
        %dma_start3A_73 = arith.constant 0 : i32
        %dma_start3A_74 = tpu.memref_slice %arg2[%dma_start3A_72, %dma_start3A_73] : memref<10000x128xf32, #tpu.memory_space<hbm>> -> memref<10000x128xf32, #tpu.memory_space<hbm>>
        tpu.enqueue_indirect_dma source(%dma_start3A_74 : memref<10000x128xf32, #tpu.memory_space<hbm>>) target(%arg10 : memref<128x128xf32, #tpu.memory_space<vmem>>) offsets(%dma_start3A_71 : memref<128xi32, #tpu.memory_space<vmem>>) semaphore(%arg13 : memref<!tpu.dma_semaphore, #tpu.memory_space<semaphore_mem>>)
      } else {
      }
      %add3A_65 = arith.constant 1 : i32
      %add3A_66 = arith.addi %mul3A_37, %add3A_65 : i32
      "tpu.region"() ({
        %run_scoped3A = tpu.sem_alloc : memref<!tpu.dma_semaphore, #tpu.memory_space<semaphore_mem>>
        %dma_start3A_67 = arith.constant 0 : i32
        %dma_start3A_68 = tpu.memref_slice %arg9[%add3A_66, %dma_start3A_67] : memref<40x128xi32, #tpu.memory_space<vmem>> -> memref<1x128xi32, #tpu.memory_space<vmem>>
        %dma_start3A_69 = tpu.memref_squeeze %dma_start3A_68 : memref<1x128xi32, #tpu.memory_space<vmem>> -> memref<128xi32, #tpu.memory_space<vmem>>
        %dma_start3A_70 = arith.constant 0 : i32
        %dma_start3A_71 = arith.constant 0 : i32
        %dma_start3A_72 = tpu.memref_slice %arg12[%dma_start3A_70, %dma_start3A_71] : memref<10112x128xf32, #tpu.memory_space<vmem_shared>> -> memref<10112x128xf32, #tpu.memory_space<vmem_shared>>
        tpu.enqueue_indirect_dma source(%arg11 : memref<128x128xf32, #tpu.memory_space<vmem>>) target(%dma_start3A_72 : memref<10112x128xf32, #tpu.memory_space<vmem_shared>>) offsets(%dma_start3A_69 : memref<128xi32, #tpu.memory_space<vmem>>) semaphore(%run_scoped3A : memref<!tpu.dma_semaphore, #tpu.memory_space<semaphore_mem>>) {add = true}
        %dma_wait3A_73 = arith.constant 0 : i32
        %dma_wait3A_74 = tpu.memref_slice %arg9[%add3A_66, %dma_wait3A_73] : memref<40x128xi32, #tpu.memory_space<vmem>> -> memref<1x128xi32, #tpu.memory_space<vmem>>
        %dma_wait3A_75 = tpu.memref_squeeze %dma_wait3A_74 : memref<1x128xi32, #tpu.memory_space<vmem>> -> memref<128xi32, #tpu.memory_space<vmem>>
        %dma_wait3A_76 = arith.constant 0 : i32
        %dma_wait3A_77 = arith.constant 0 : i32
        %dma_wait3A_78 = tpu.memref_slice %arg12[%dma_wait3A_76, %dma_wait3A_77] : memref<10112x128xf32, #tpu.memory_space<vmem_shared>> -> memref<10112x128xf32, #tpu.memory_space<vmem_shared>>
        tpu.wait_indirect_dma semaphore(%run_scoped3A : memref<!tpu.dma_semaphore, #tpu.memory_space<semaphore_mem>>) src(%arg11 : memref<128x128xf32, #tpu.memory_space<vmem>>) dst(%dma_wait3A_78 : memref<10112x128xf32, #tpu.memory_space<vmem_shared>>)
        tpu.yield
      }) : () -> ()
    }
    %scan3A_26 = arith.constant 20 : i32
    %barrier3A_27 = arith.constant 0 : index
    tpu.barrier barrier_id(%barrier3A_27)
    %eq3A = arith.constant 0 : i32
    %eq3A_28 = arith.cmpi eq, %arg0, %eq3A : i32
    %convert_element_type3A = arith.extui %eq3A_28 : i1 to i32
    %cond3A = arith.constant 0 : i32
    %cond3A_29 = arith.cmpi ne, %convert_element_type3A, %cond3A : i32
    scf.if %cond3A_29 {
      "tpu.region"() ({
        %run_scoped3A = tpu.sem_alloc : memref<!tpu.dma_semaphore, #tpu.memory_space<semaphore_mem>>
        %dma_start3A_35 = arith.constant 0 : i32
        %dma_start3A_36 = tpu.memref_slice %arg6[%mul3A_2, %dma_start3A_35] : memref<10112x128xf32, #tpu.memory_space<hbm>> -> memref<632x128xf32, #tpu.memory_space<hbm>>
        %dma_start3A_37 = arith.constant 0 : i32
        %dma_start3A_38 = tpu.memref_slice %arg12[%mul3A_2, %dma_start3A_37] : memref<10112x128xf32, #tpu.memory_space<vmem_shared>> -> memref<632x128xf32, #tpu.memory_space<vmem_shared>>
        tpu.enqueue_dma source(%dma_start3A_38 : memref<632x128xf32, #tpu.memory_space<vmem_shared>>) target(%dma_start3A_36 : memref<632x128xf32, #tpu.memory_space<hbm>>) target_semaphore(%run_scoped3A : memref<!tpu.dma_semaphore, #tpu.memory_space<semaphore_mem>>)
        %dma_wait3A = arith.constant 0 : i32
        %dma_wait3A_39 = tpu.memref_slice %arg6[%mul3A_2, %dma_wait3A] : memref<10112x128xf32, #tpu.memory_space<hbm>> -> memref<632x128xf32, #tpu.memory_space<hbm>>
        %dma_wait3A_40 = arith.constant 0 : i32
        %dma_wait3A_41 = tpu.memref_slice %arg12[%mul3A_2, %dma_wait3A_40] : memref<10112x128xf32, #tpu.memory_space<vmem_shared>> -> memref<632x128xf32, #tpu.memory_space<vmem_shared>>
        tpu.wait_dma2 semaphore(%run_scoped3A : memref<!tpu.dma_semaphore, #tpu.memory_space<semaphore_mem>>) src(%dma_wait3A_41 : memref<632x128xf32, #tpu.memory_space<vmem_shared>>) dst(%dma_wait3A_39 : memref<632x128xf32, #tpu.memory_space<hbm>>)
        tpu.yield
      }) : () -> ()
    } else {
    }
    %eq3A_30 = arith.constant 1 : i32
    %eq3A_31 = arith.cmpi eq, %arg0, %eq3A_30 : i32
    %convert_element_type3A_32 = arith.extui %eq3A_31 : i1 to i32
    %cond3A_33 = arith.constant 0 : i32
    %cond3A_34 = arith.cmpi ne, %convert_element_type3A_32, %cond3A_33 : i32
    scf.if %cond3A_34 {
      "tpu.region"() ({
        %run_scoped3A = tpu.sem_alloc : memref<!tpu.dma_semaphore, #tpu.memory_space<semaphore_mem>>
        %dma_start3A_35 = arith.constant 0 : i32
        %dma_start3A_36 = tpu.memref_slice %arg7[%mul3A_2, %dma_start3A_35] : memref<10112x128xf32, #tpu.memory_space<hbm>> -> memref<632x128xf32, #tpu.memory_space<hbm>>
        %dma_start3A_37 = arith.constant 0 : i32
        %dma_start3A_38 = tpu.memref_slice %arg12[%mul3A_2, %dma_start3A_37] : memref<10112x128xf32, #tpu.memory_space<vmem_shared>> -> memref<632x128xf32, #tpu.memory_space<vmem_shared>>
        tpu.enqueue_dma source(%dma_start3A_38 : memref<632x128xf32, #tpu.memory_space<vmem_shared>>) target(%dma_start3A_36 : memref<632x128xf32, #tpu.memory_space<hbm>>) target_semaphore(%run_scoped3A : memref<!tpu.dma_semaphore, #tpu.memory_space<semaphore_mem>>)
        %dma_wait3A = arith.constant 0 : i32
        %dma_wait3A_39 = tpu.memref_slice %arg7[%mul3A_2, %dma_wait3A] : memref<10112x128xf32, #tpu.memory_space<hbm>> -> memref<632x128xf32, #tpu.memory_space<hbm>>
        %dma_wait3A_40 = arith.constant 0 : i32
        %dma_wait3A_41 = tpu.memref_slice %arg12[%mul3A_2, %dma_wait3A_40] : memref<10112x128xf32, #tpu.memory_space<vmem_shared>> -> memref<632x128xf32, #tpu.memory_space<vmem_shared>>
        tpu.wait_dma2 semaphore(%run_scoped3A : memref<!tpu.dma_semaphore, #tpu.memory_space<semaphore_mem>>) src(%dma_wait3A_41 : memref<632x128xf32, #tpu.memory_space<vmem_shared>>) dst(%dma_wait3A_39 : memref<632x128xf32, #tpu.memory_space<hbm>>)
        tpu.yield
      }) : () -> ()
    } else {
    }
    return
  }
}

module attributes {stable_mosaic.version = 14 : i64} {
  func.func @_scale_body(%arg0: i32, %arg1: memref<1000x16xf32, #tpu.memory_space<vmem>>, %arg2: memref<1000x16xf32, #tpu.memory_space<vmem>>, %arg3: memref<1000x128xf32, #tpu.memory_space<vmem>>, %arg4: memref<1000x1xf32, #tpu.memory_space<vmem>>, %arg5: memref<1000x128xf32, #tpu.memory_space<vmem>>) attributes {dimension_semantics = [#tpu.dimension_semantics<arbitrary>], iteration_bounds = array<i64: 10>, scalar_prefetch = 0 : i64, scratch_operands = 0 : i64, tpu.core_type = #tpu.core_type<tc>, window_params = [{transform_indices = @transform_0, window_bounds = array<i64: 1000, 16>}, {transform_indices = @transform_1, window_bounds = array<i64: 1000, 16>}, {transform_indices = @transform_2, window_bounds = array<i64: 1000, 128>}, {transform_indices = @transform_3, window_bounds = array<i64: 1000, 1>}, {transform_indices = @transform_4, window_bounds = array<i64: 1000, 128>}]} {
    %get3A = arith.constant 0 : index
    %get3A_0 = arith.constant 0 : index
    %get3A_1 = vector.load %arg1[%get3A, %get3A_0] : memref<1000x16xf32, #tpu.memory_space<vmem>>, vector<1000x1xf32>
    %get3A_2 = arith.constant 0 : index
    %get3A_3 = arith.constant 0 : index
    %get3A_4 = vector.load %arg2[%get3A_2, %get3A_3] : memref<1000x16xf32, #tpu.memory_space<vmem>>, vector<1000x1xf32>
    %add3A = arith.addf %get3A_1, %get3A_4 : vector<1000x1xf32>
    %add3A_5 = arith.constant 1.000000e+00 : f32
    %add3A_6 = vector.broadcast %add3A_5 : f32 to vector<1000x1xf32>
    %add3A_7 = arith.addf %add3A, %add3A_6 : vector<1000x1xf32>
    %rsqrt3A = math.rsqrt %add3A_7 : vector<1000x1xf32>
    %swap3A = arith.constant 0 : index
    %swap3A_8 = arith.constant 0 : index
    %swap3A_9 = vector.load %arg4[%swap3A, %swap3A_8] : memref<1000x1xf32, #tpu.memory_space<vmem>>, vector<1000x1xf32>
    tpu.vector_store %arg4[%swap3A, %swap3A_8], %rsqrt3A {strides = array<i32>} : memref<1000x1xf32, #tpu.memory_space<vmem>>, vector<1000x1xf32>,
    %get3A_10 = arith.constant 0 : index
    %get3A_11 = arith.constant 0 : index
    %get3A_12 = vector.load %arg3[%get3A_10, %get3A_11] : memref<1000x128xf32, #tpu.memory_space<vmem>>, vector<1000x128xf32>
    %mul3A = vector.broadcast %rsqrt3A : vector<1000x1xf32> to vector<1000x128xf32>
    %mul3A_13 = arith.mulf %get3A_12, %mul3A : vector<1000x128xf32>
    %swap3A_14 = arith.constant 0 : index
    %swap3A_15 = arith.constant 0 : index
    %swap3A_16 = vector.load %arg5[%swap3A_14, %swap3A_15] : memref<1000x128xf32, #tpu.memory_space<vmem>>, vector<1000x128xf32>
    tpu.vector_store %arg5[%swap3A_14, %swap3A_15], %mul3A_13 {strides = array<i32>} : memref<1000x128xf32, #tpu.memory_space<vmem>>, vector<1000x128xf32>,
    return
  }
  func.func @transform_0(%arg0: i32) -> (i32, i32) {
    %c0_i32 = arith.constant 0 : i32
    %c0_i32_0 = arith.constant 0 : i32
    return %arg0, %c0_i32 : i32, i32
  }
  func.func @transform_1(%arg0: i32) -> (i32, i32) {
    %c0_i32 = arith.constant 0 : i32
    %c0_i32_0 = arith.constant 0 : i32
    return %arg0, %c0_i32 : i32, i32
  }
  func.func @transform_2(%arg0: i32) -> (i32, i32) {
    %c0_i32 = arith.constant 0 : i32
    %c0_i32_0 = arith.constant 0 : i32
    return %arg0, %c0_i32 : i32, i32
  }
  func.func @transform_3(%arg0: i32) -> (i32, i32) {
    %c0_i32 = arith.constant 0 : i32
    %c0_i32_0 = arith.constant 0 : i32
    return %arg0, %c0_i32 : i32, i32
  }
  func.func @transform_4(%arg0: i32) -> (i32, i32) {
    %c0_i32 = arith.constant 0 : i32
    %c0_i32_0 = arith.constant 0 : i32
    return %arg0, %c0_i32 : i32, i32
  }
}

module attributes {stable_mosaic.version = 14 : i64} {
  func.func @_l1_body(%arg0: i32, %arg1: memref<1000x128xf32, #tpu.memory_space<vmem>>, %arg2: memref<1000x128xf32, #tpu.memory_space<vmem>>, %arg3: memref<1000x128xf32, #tpu.memory_space<vmem>>, %arg4: memref<1000x1xf32, #tpu.memory_space<vmem>>, %arg5: memref<128x128xf32, #tpu.memory_space<vmem>>, %arg6: memref<1x128xf32, #tpu.memory_space<vmem>>, %arg7: memref<1000x128xf32, #tpu.memory_space<vmem>>) attributes {dimension_semantics = [#tpu.dimension_semantics<arbitrary>], iteration_bounds = array<i64: 10>, scalar_prefetch = 0 : i64, scratch_operands = 0 : i64, tpu.core_type = #tpu.core_type<tc>, window_params = [{transform_indices = @transform_0, window_bounds = array<i64: 1000, 128>}, {transform_indices = @transform_1, window_bounds = array<i64: 1000, 128>}, {transform_indices = @transform_2, window_bounds = array<i64: 1000, 128>}, {transform_indices = @transform_3, window_bounds = array<i64: 1000, 1>}, {pipeline_mode = #tpu.pipeline_mode<synchronous>, transform_indices = @transform_4, window_bounds = array<i64: 128, 128>}, {pipeline_mode = #tpu.pipeline_mode<synchronous>, transform_indices = @transform_5, window_bounds = array<i64: 1, 128>}, {transform_indices = @transform_6, window_bounds = array<i64: 1000, 128>}]} {
    %get3A = arith.constant 0 : index
    %get3A_0 = arith.constant 0 : index
    %get3A_1 = vector.load %arg4[%get3A, %get3A_0] : memref<1000x1xf32, #tpu.memory_space<vmem>>, vector<1000x1xf32>
    %get3A_2 = arith.constant 0 : index
    %get3A_3 = arith.constant 0 : index
    %get3A_4 = vector.load %arg1[%get3A_2, %get3A_3] : memref<1000x128xf32, #tpu.memory_space<vmem>>, vector<1000x128xf32>
    %get3A_5 = arith.constant 0 : index
    %get3A_6 = arith.constant 0 : index
    %get3A_7 = vector.load %arg2[%get3A_5, %get3A_6] : memref<1000x128xf32, #tpu.memory_space<vmem>>, vector<1000x128xf32>
    %add3A = arith.addf %get3A_4, %get3A_7 : vector<1000x128xf32>
    %get3A_8 = arith.constant 0 : index
    %get3A_9 = arith.constant 0 : index
    %get3A_10 = vector.load %arg3[%get3A_8, %get3A_9] : memref<1000x128xf32, #tpu.memory_space<vmem>>, vector<1000x128xf32>
    %add3A_11 = arith.addf %add3A, %get3A_10 : vector<1000x128xf32>
    %mul3A = vector.broadcast %get3A_1 : vector<1000x1xf32> to vector<1000x128xf32>
    %mul3A_12 = arith.mulf %mul3A, %add3A_11 : vector<1000x128xf32>
    %get3A_13 = arith.constant 0 : index
    %get3A_14 = arith.constant 0 : index
    %get3A_15 = vector.load %arg5[%get3A_13, %get3A_14] : memref<128x128xf32, #tpu.memory_space<vmem>>, vector<128x128xf32>
    %dot_general3A = arith.constant dense<0.000000e+00> : vector<1000x128xf32>
    %dot_general3A_16 = tpu.matmul %mul3A_12, %get3A_15, %dot_general3A {dimension_numbers = #tpu.dot_dimension_numbers<[1], [0], [0], [1], [0, 0, 1, 1], [], []>, transpose_lhs_hint = false} : vector<1000x128xf32>, vector<128x128xf32>, vector<1000x128xf32> -> vector<1000x128xf32>
    %get3A_17 = arith.constant 0 : index
    %get3A_18 = arith.constant 0 : index
    %get3A_19 = vector.load %arg6[%get3A_17, %get3A_18] : memref<1x128xf32, #tpu.memory_space<vmem>>, vector<1x128xf32>
    %add3A_20 = vector.broadcast %get3A_19 : vector<1x128xf32> to vector<1000x128xf32>
    %add3A_21 = arith.addf %dot_general3A_16, %add3A_20 : vector<1000x128xf32>
    %max3A = arith.constant 0.000000e+00 : f32
    %max3A_22 = vector.broadcast %max3A : f32 to vector<1000x128xf32>
    %max3A_23 = arith.maximumf %add3A_21, %max3A_22 : vector<1000x128xf32>
    %get3A_24 = arith.constant 0 : index
    %get3A_25 = arith.constant 0 : index
    %get3A_26 = vector.load %arg4[%get3A_24, %get3A_25] : memref<1000x1xf32, #tpu.memory_space<vmem>>, vector<1000x1xf32>
    %mul3A_27 = vector.broadcast %get3A_26 : vector<1000x1xf32> to vector<1000x128xf32>
    %mul3A_28 = arith.mulf %max3A_23, %mul3A_27 : vector<1000x128xf32>
    %swap3A = arith.constant 0 : index
    %swap3A_29 = arith.constant 0 : index
    %swap3A_30 = vector.load %arg7[%swap3A, %swap3A_29] : memref<1000x128xf32, #tpu.memory_space<vmem>>, vector<1000x128xf32>
    tpu.vector_store %arg7[%swap3A, %swap3A_29], %mul3A_28 {strides = array<i32>} : memref<1000x128xf32, #tpu.memory_space<vmem>>, vector<1000x128xf32>,
    return
  }
  func.func @transform_0(%arg0: i32) -> (i32, i32) {
    %c0_i32 = arith.constant 0 : i32
    %c0_i32_0 = arith.constant 0 : i32
    return %arg0, %c0_i32 : i32, i32
  }
  func.func @transform_1(%arg0: i32) -> (i32, i32) {
    %c0_i32 = arith.constant 0 : i32
    %c0_i32_0 = arith.constant 0 : i32
    return %arg0, %c0_i32 : i32, i32
  }
  func.func @transform_2(%arg0: i32) -> (i32, i32) {
    %c0_i32 = arith.constant 0 : i32
    %c0_i32_0 = arith.constant 0 : i32
    return %arg0, %c0_i32 : i32, i32
  }
  func.func @transform_3(%arg0: i32) -> (i32, i32) {
    %c0_i32 = arith.constant 0 : i32
    %c0_i32_0 = arith.constant 0 : i32
    return %arg0, %c0_i32 : i32, i32
  }
  func.func @transform_4(%arg0: i32) -> (i32, i32) {
    %c0_i32 = arith.constant 0 : i32
    %c0_i32_0 = arith.constant 0 : i32
    %c0_i32_1 = arith.constant 0 : i32
    return %c0_i32, %c0_i32_0 : i32, i32
  }
  func.func @transform_5(%arg0: i32) -> (i32, i32) {
    %c0_i32 = arith.constant 0 : i32
    %c0_i32_0 = arith.constant 0 : i32
    %c0_i32_1 = arith.constant 0 : i32
    return %c0_i32, %c0_i32_0 : i32, i32
  }
  func.func @transform_6(%arg0: i32) -> (i32, i32) {
    %c0_i32 = arith.constant 0 : i32
    %c0_i32_0 = arith.constant 0 : i32
    return %arg0, %c0_i32 : i32, i32
  }
}

module attributes {stable_mosaic.version = 14 : i64} {
  func.func @_l2_body(%arg0: i32, %arg1: memref<1000x128xf32, #tpu.memory_space<vmem>>, %arg2: memref<1000x128xf32, #tpu.memory_space<vmem>>, %arg3: memref<1000x128xf32, #tpu.memory_space<vmem>>, %arg4: memref<1000x1xf32, #tpu.memory_space<vmem>>, %arg5: memref<128x64xf32, #tpu.memory_space<vmem>>, %arg6: memref<1x64xf32, #tpu.memory_space<vmem>>, %arg7: memref<128x64xf32, #tpu.memory_space<vmem>>, %arg8: memref<1x64xf32, #tpu.memory_space<vmem>>, %arg9: memref<1000x64xf32, #tpu.memory_space<vmem>>, %arg10: memref<1000x64xf32, #tpu.memory_space<vmem>>) attributes {dimension_semantics = [#tpu.dimension_semantics<arbitrary>], iteration_bounds = array<i64: 10>, scalar_prefetch = 0 : i64, scratch_operands = 0 : i64, tpu.core_type = #tpu.core_type<tc>, window_params = [{transform_indices = @transform_0, window_bounds = array<i64: 1000, 128>}, {transform_indices = @transform_1, window_bounds = array<i64: 1000, 128>}, {transform_indices = @transform_2, window_bounds = array<i64: 1000, 128>}, {transform_indices = @transform_3, window_bounds = array<i64: 1000, 1>}, {pipeline_mode = #tpu.pipeline_mode<synchronous>, transform_indices = @transform_4, window_bounds = array<i64: 128, 64>}, {pipeline_mode = #tpu.pipeline_mode<synchronous>, transform_indices = @transform_5, window_bounds = array<i64: 1, 64>}, {pipeline_mode = #tpu.pipeline_mode<synchronous>, transform_indices = @transform_6, window_bounds = array<i64: 128, 64>}, {pipeline_mode = #tpu.pipeline_mode<synchronous>, transform_indices = @transform_7, window_bounds = array<i64: 1, 64>}, {transform_indices = @transform_8, window_bounds = array<i64: 1000, 64>}, {transform_indices = @transform_9, window_bounds = array<i64: 1000, 64>}]} {
    %get3A = arith.constant 0 : index
    %get3A_0 = arith.constant 0 : index
    %get3A_1 = vector.load %arg4[%get3A, %get3A_0] : memref<1000x1xf32, #tpu.memory_space<vmem>>, vector<1000x1xf32>
    %get3A_2 = arith.constant 0 : index
    %get3A_3 = arith.constant 0 : index
    %get3A_4 = vector.load %arg1[%get3A_2, %get3A_3] : memref<1000x128xf32, #tpu.memory_space<vmem>>, vector<1000x128xf32>
    %get3A_5 = arith.constant 0 : index
    %get3A_6 = arith.constant 0 : index
    %get3A_7 = vector.load %arg2[%get3A_5, %get3A_6] : memref<1000x128xf32, #tpu.memory_space<vmem>>, vector<1000x128xf32>
    %add3A = arith.addf %get3A_4, %get3A_7 : vector<1000x128xf32>
    %get3A_8 = arith.constant 0 : index
    %get3A_9 = arith.constant 0 : index
    %get3A_10 = vector.load %arg3[%get3A_8, %get3A_9] : memref<1000x128xf32, #tpu.memory_space<vmem>>, vector<1000x128xf32>
    %add3A_11 = arith.addf %add3A, %get3A_10 : vector<1000x128xf32>
    %mul3A = vector.broadcast %get3A_1 : vector<1000x1xf32> to vector<1000x128xf32>
    %mul3A_12 = arith.mulf %mul3A, %add3A_11 : vector<1000x128xf32>
    %get3A_13 = arith.constant 0 : index
    %get3A_14 = arith.constant 0 : index
    %get3A_15 = vector.load %arg5[%get3A_13, %get3A_14] : memref<128x64xf32, #tpu.memory_space<vmem>>, vector<128x64xf32>
    %dot_general3A = arith.constant dense<0.000000e+00> : vector<1000x64xf32>
    %dot_general3A_16 = tpu.matmul %mul3A_12, %get3A_15, %dot_general3A {dimension_numbers = #tpu.dot_dimension_numbers<[1], [0], [0], [1], [0, 0, 1, 1], [], []>, transpose_lhs_hint = false} : vector<1000x128xf32>, vector<128x64xf32>, vector<1000x64xf32> -> vector<1000x64xf32>
    %get3A_17 = arith.constant 0 : index
    %get3A_18 = arith.constant 0 : index
    %get3A_19 = vector.load %arg6[%get3A_17, %get3A_18] : memref<1x64xf32, #tpu.memory_space<vmem>>, vector<1x64xf32>
    %add3A_20 = vector.broadcast %get3A_19 : vector<1x64xf32> to vector<1000x64xf32>
    %add3A_21 = arith.addf %dot_general3A_16, %add3A_20 : vector<1000x64xf32>
    %swap3A = arith.constant 0 : index
    %swap3A_22 = arith.constant 0 : index
    %swap3A_23 = vector.load %arg9[%swap3A, %swap3A_22] : memref<1000x64xf32, #tpu.memory_space<vmem>>, vector<1000x64xf32>
    tpu.vector_store %arg9[%swap3A, %swap3A_22], %add3A_21 {strides = array<i32>} : memref<1000x64xf32, #tpu.memory_space<vmem>>, vector<1000x64xf32>,
    %get3A_24 = arith.constant 0 : index
    %get3A_25 = arith.constant 0 : index
    %get3A_26 = vector.load %arg7[%get3A_24, %get3A_25] : memref<128x64xf32, #tpu.memory_space<vmem>>, vector<128x64xf32>
    %dot_general3A_27 = arith.constant dense<0.000000e+00> : vector<1000x64xf32>
    %dot_general3A_28 = tpu.matmul %mul3A_12, %get3A_26, %dot_general3A_27 {dimension_numbers = #tpu.dot_dimension_numbers<[1], [0], [0], [1], [0, 0, 1, 1], [], []>, transpose_lhs_hint = false} : vector<1000x128xf32>, vector<128x64xf32>, vector<1000x64xf32> -> vector<1000x64xf32>
    %get3A_29 = arith.constant 0 : index
    %get3A_30 = arith.constant 0 : index
    %get3A_31 = vector.load %arg8[%get3A_29, %get3A_30] : memref<1x64xf32, #tpu.memory_space<vmem>>, vector<1x64xf32>
    %add3A_32 = vector.broadcast %get3A_31 : vector<1x64xf32> to vector<1000x64xf32>
    %add3A_33 = arith.addf %dot_general3A_28, %add3A_32 : vector<1000x64xf32>
    %swap3A_34 = arith.constant 0 : index
    %swap3A_35 = arith.constant 0 : index
    %swap3A_36 = vector.load %arg10[%swap3A_34, %swap3A_35] : memref<1000x64xf32, #tpu.memory_space<vmem>>, vector<1000x64xf32>
    tpu.vector_store %arg10[%swap3A_34, %swap3A_35], %add3A_33 {strides = array<i32>} : memref<1000x64xf32, #tpu.memory_space<vmem>>, vector<1000x64xf32>,
    return
  }
  func.func @transform_0(%arg0: i32) -> (i32, i32) {
    %c0_i32 = arith.constant 0 : i32
    %c0_i32_0 = arith.constant 0 : i32
    return %arg0, %c0_i32 : i32, i32
  }
  func.func @transform_1(%arg0: i32) -> (i32, i32) {
    %c0_i32 = arith.constant 0 : i32
    %c0_i32_0 = arith.constant 0 : i32
    return %arg0, %c0_i32 : i32, i32
  }
  func.func @transform_2(%arg0: i32) -> (i32, i32) {
    %c0_i32 = arith.constant 0 : i32
    %c0_i32_0 = arith.constant 0 : i32
    return %arg0, %c0_i32 : i32, i32
  }
  func.func @transform_3(%arg0: i32) -> (i32, i32) {
    %c0_i32 = arith.constant 0 : i32
    %c0_i32_0 = arith.constant 0 : i32
    return %arg0, %c0_i32 : i32, i32
  }
  func.func @transform_4(%arg0: i32) -> (i32, i32) {
    %c0_i32 = arith.constant 0 : i32
    %c0_i32_0 = arith.constant 0 : i32
    %c0_i32_1 = arith.constant 0 : i32
    return %c0_i32, %c0_i32_0 : i32, i32
  }
  func.func @transform_5(%arg0: i32) -> (i32, i32) {
    %c0_i32 = arith.constant 0 : i32
    %c0_i32_0 = arith.constant 0 : i32
    %c0_i32_1 = arith.constant 0 : i32
    return %c0_i32, %c0_i32_0 : i32, i32
  }
  func.func @transform_6(%arg0: i32) -> (i32, i32) {
    %c0_i32 = arith.constant 0 : i32
    %c0_i32_0 = arith.constant 0 : i32
    %c0_i32_1 = arith.constant 0 : i32
    return %c0_i32, %c0_i32_0 : i32, i32
  }
  func.func @transform_7(%arg0: i32) -> (i32, i32) {
    %c0_i32 = arith.constant 0 : i32
    %c0_i32_0 = arith.constant 0 : i32
    %c0_i32_1 = arith.constant 0 : i32
    return %c0_i32, %c0_i32_0 : i32, i32
  }
  func.func @transform_8(%arg0: i32) -> (i32, i32) {
    %c0_i32 = arith.constant 0 : i32
    %c0_i32_0 = arith.constant 0 : i32
    return %arg0, %c0_i32 : i32, i32
  }
  func.func @transform_9(%arg0: i32) -> (i32, i32) {
    %c0_i32 = arith.constant 0 : i32
    %c0_i32_0 = arith.constant 0 : i32
    return %arg0, %c0_i32 : i32, i32
  }
}

</mosaic_0001>

<sc_bundles>
// kernel: kernel.11.cloned.1.call-start
scs
__scs_entry_jumppad:
0x0: {  	(pc) =	sbr.rel $0x88, $3  }
0x1: {  	(tag) =	ssettag $0x0;
	lr =	simm.s32 $0x1  }
0x2: {  	[smem:$0x3F99] =	sst lr;
	_ =	strace $0xD0000000  }
0x3: {  	_ = 	snop  }
0x4: {  	_ = 	snop  }
0x5: {  	_ = 	snop  }
0x6: {  	_ = 	snop  }
0x7: {  	_ = 	snop  }
__scs_overlays_trampoline_lowered:
0x8: {  	[smem:$0x3FA8] =	sst s0  }
0x9: {  	[smem:$0x3FA9] =	sst s1  }
0xa: {  	[smem:$0x3FAA] =	sst s2  }
0xb: {  	[smem:$0x3FAB] =	sst s3  }
0xc: {  	[smem:$0x3FAC] =	sst s4  }
0xd: {  	[smem:$0x3FAD] =	sst s5  }
0xe: {  	[smem:$0x3FAE] =	sst s6  }
0xf: {  	[smem:$0x3FAF] =	sst s7  }
0x10: {  	[smem:$0x3FB0] =	sst s8  }
0x11: {  	[smem:$0x3FB1] =	sst s9;
	s0 =	simm.s32 @!p0 $0x0  }
0x12: {  	s1 =	sld [smem:$0x3F97];
	s0 =	simm.s32 @p0 $0x1  }
0x13: {  	[smem:$0x3FB2] =	sst s0;
	s0 =	simm.s32 @!p1 $0x0  }
0x14: {  	s2 =	sld [smem:$0x3F96];
	s0 =	simm.s32 @p1 $0x1  }
0x15: {  	[smem:$0x3FB3] =	sst s0;
	s0 =	simm.s32 @!p2 $0x0  }
0x16: {  	s3 =	sld [smem:$0x3FDB];
	s0 =	simm.s32 @p2 $0x1  }
0x17: {  	s4 =	simm.s32 $0x1BF5;
	[smem:$0x3FB5] =	sst s0  }
0x18: {  	s0 =	sld [smem:$0x3F98];
	_ =	swait.ge [sflag:s4], $0x0  }
0x19: {  	s7 =	sld [smem:$0x3F99]  }
0x1a: {  	s8 =	sadd.s32 $0xFFFFE003, lr  }
0x1b: {  	s9 =	sadd.s32 $0xFFFFFEF7, lr;
	s5 =	simm.s32 $0xFFFFFFFF;
	p2 =	slt.u32 s8, $0xFFFFF086  }
0x1c: {  	p1 =	slt.u32 s9, $0xF7A;
	s5 =	simm.s32 @!p2 $0x0  }
0x1d: {  	s5 =	simm.s32 @p1 $0x1;
	p0 =	seq.s32 s7, s2  }
0x1e: {  	s7 =	smul.u32 @!p0 $0xF7A, s2;
	p2 =	seq.s32 @!p0 s5, $0x0  }
0x1f: {  	s9 =	smul.u32 $0xF7A, s1;
	s8 =	simm.s32 @!p0 $0x1BF5;
	p2 =	por !p2, p0  }
0x20: {  	[sflag:s8] =	ssyncset.s32 @!p0 $0xFFFFF086;
	s6 =	sadd.s32 @!p0 s3, s7;
	s7 =	simm.s32 @!p0 $0x108  }
0x21: {  	s3 =	sadd.s32 s3, s9;
	s6 =	sadd.s32 @!p0 $0x88, s6;
	s7 =	simm.s32 @p2 $0x1082  }
0x22: {  	[simem:s7], [sflag:s8] =	dma.local @!p0 [hbm:s6], $0xF7A  }
0x23: {  	s9 =	sor.u32 $0xD0000000, s2;
	s6 =	simm.s32 $0x108;
	_ =	swait.ge @!p0 [sflag:s8], $0x0  }
0x24: {  	s3 =	sadd.s32 $0x88, s3;
	s6 =	simm.s32 @!p1 $0x1082;
	[sflag:s4] =	ssyncset.s32 $0xFFFFF086  }
0x25: {  	[simem:s6], [sflag:s4] =	dma.local [hbm:s3], $0xF7A  }
0x26: {  	[smem:$0x3F99] =	sst s1;
	(tag) =	ssettag s2;
	_ =	strace s9  }
0x27: {  	s1 =	sld [smem:$0x3FA9]  }
0x28: {  	s2 =	sld [smem:$0x3FAA]  }
0x29: {  	s4 =	sld [smem:$0x3FAC]  }
0x2a: {  	p0 =	seq.s32 s5, $0x0;
	s5 =	sld [smem:$0x3FAD]  }
0x2b: {  	s6 =	sld [smem:$0x3FAE]  }
0x2c: {  	s7 =	sld [smem:$0x3FAF]  }
0x2d: {  	s3 =	simm.s32 $0x108;
	s8 =	sld [smem:$0x3FB0]  }
0x2e: {  	s3 =	simm.s32 @!p0 $0x1082;
	s9 =	sld [smem:$0x3FB1]  }
0x2f: {  	lr =	sadd.s32 s0, s3;
	s0 =	sld [smem:$0x3FA8]  }
0x30: {  	s3 =	sld [smem:$0x3FAB]  }
0x31: {  	[smem:$0x3FB4] =	sst s10  }
0x32: {  	s10 =	sld [smem:$0x3FB2];
	_ =	sdelay $0x3  }
0x33: {  	p0 =	seq.s32 s10, $0x1;
	s10 =	sld [smem:$0x3FB4];
	_ =	sdelay $0x3  }
0x34: {  	[smem:$0x3FB4] =	sst s10  }
0x35: {  	s10 =	sld [smem:$0x3FB3];
	_ =	sdelay $0x3  }
0x36: {  	p1 =	seq.s32 s10, $0x1;
	s10 =	sld [smem:$0x3FB4];
	_ =	sdelay $0x3  }
0x37: {  	[smem:$0x3FB4] =	sst s10  }
0x38: {  	s10 =	sld [smem:$0x3FB5]  }
0x39: {  	_ = 	snop;
	(pc) =	sbr.ind lr, $3  }
0x3a: {  	_ = 	snop  }
0x3b: {  	_ = 	snop  }
0x3c: {  	p2 =	seq.s32 s10, $0x1;
	s10 =	sld [smem:$0x3FB4]  }
0x3d: {  	_ =	shalt  }
0x3e: {  	_ =	shalt  }
0x3f: {  	_ =	shalt  }
0x40: {  	_ =	shalt  }
0x41: {  	_ =	shalt  }
0x42: {  	_ =	shalt  }
0x43: {  	_ =	shalt  }
0x44: {  	_ =	shalt  }
0x45: {  	_ =	shalt  }
0x46: {  	_ =	shalt  }
0x47: {  	_ =	shalt  }
0x48: {  	_ =	shalt  }
0x49: {  	_ =	shalt  }
0x4a: {  	_ =	shalt  }
0x4b: {  	_ =	shalt  }
0x4c: {  	_ =	shalt  }
0x4d: {  	_ =	shalt  }
0x4e: {  	_ =	shalt  }
0x4f: {  	_ =	shalt  }
0x50: {  	_ =	shalt  }
0x51: {  	_ =	shalt  }
0x52: {  	_ =	shalt  }
0x53: {  	_ =	shalt  }
0x54: {  	_ =	shalt  }
0x55: {  	_ =	shalt  }
0x56: {  	_ =	shalt  }
0x57: {  	_ =	shalt  }
0x58: {  	_ =	shalt  }
0x59: {  	_ =	shalt  }
0x5a: {  	_ =	shalt  }
0x5b: {  	_ =	shalt  }
0x5c: {  	_ =	shalt  }
0x5d: {  	_ =	shalt  }
0x5e: {  	_ =	shalt  }
0x5f: {  	_ =	shalt  }
0x60: {  	_ =	shalt  }
0x61: {  	_ =	shalt  }
0x62: {  	_ =	shalt  }
0x63: {  	_ =	shalt  }
0x64: {  	_ =	shalt  }
0x65: {  	_ =	shalt  }
0x66: {  	_ =	shalt  }
0x67: {  	_ =	shalt  }
0x68: {  	_ =	shalt  }
0x69: {  	_ =	shalt  }
0x6a: {  	_ =	shalt  }
0x6b: {  	_ =	shalt  }
0x6c: {  	_ =	shalt  }
0x6d: {  	_ =	shalt  }
0x6e: {  	_ =	shalt  }
0x6f: {  	_ =	shalt  }
0x70: {  	_ =	shalt  }
0x71: {  	_ =	shalt  }
0x72: {  	_ =	shalt  }
0x73: {  	_ =	shalt  }
0x74: {  	_ =	shalt  }
0x75: {  	_ =	shalt  }
0x76: {  	_ =	shalt  }
0x77: {  	_ =	shalt  }
0x78: {  	_ =	shalt  }
0x79: {  	_ =	shalt  }
0x7a: {  	_ =	shalt  }
0x7b: {  	_ =	shalt  }
0x7c: {  	_ =	shalt  }
0x7d: {  	_ =	shalt  }
0x7e: {  	_ =	shalt  }
0x7f: {  	_ =	shalt  }
0x80: {  	_ =	shalt  }
0x81: {  	_ =	shalt  }
0x82: {  	_ =	shalt  }
0x83: {  	_ =	shalt  }
0x84: {  	_ =	shalt  }
0x85: {  	_ =	shalt  }
0x86: {  	_ =	shalt  }
0x87: {  	_ =	shalt  }
.Lfunc_end0:
.L_simem_size_0:
called_computation.1_lowered:
.L_overlay_start_0:
0x88: {  	s2 =	sld [smem:$0x3FD9]  }
0x89: {  	s3 =	sld [smem:$0x3FFE];
	_ =	sdelay $0x1  }
0x8a: {  	s1 =	srdreg.scid  }
0x8b: {  	s0 =	sand.u32 $0x1, s1  }
0x8c: {  	s14 =	sshll.u32 s0, $0xA;
	s2 =	sadd.s32 s3, s2  }
0x8d: {  	s2 =	sadd.s32 s2, s14  }
0x8e: {  	[smem:$0x3FC0] =	sst s2  }
0x8f: {  	_ = 	snop  }
0x90: {  	s2 =	sld [smem:$0x3FD0];
	_ =	sdelay $0x2  }
0x91: {  	s15 =	simm.s32 $0xA;
	s4 =	simm.s32 $0x10  }
0x92: {  	[smem:s4], [sflag:s15] =	dma.local [hbm:s2], $0x1  }
0x93: {  	_ =	swait.eq [sflag:s15], $0x1  }
0x94: {  	[sflag:s15] =	ssyncset.done $0x0  }
0x95: {  	s16 =	sld [smem:$0x10];
	[sflag:s15] =	ssyncadd.s32 $0xFFFFFFFF  }
0x96: {  	s17 =	sld [smem:$0x11];
	(tm) =	ssettm $0x1  }
0x97: {  	s18 =	sld [smem:$0x3FFB];
	_ =	sdelay $0x3  }
0x98: {  	_ =	strace s18  }
0x99: {  	s4 =	sld [smem:$0x3FFC];
	_ =	sdelay $0x3  }
0x9a: {  	_ =	strace s4  }
0x9b: {  	s4 =	sld [smem:$0x3FFD];
	_ =	sdelay $0x3  }
0x9c: {  	_ =	strace s4  }
0x9d: {  	_ =	strace $0x8FFFFFFF  }
0x9e: {  	s19 =	sld [smem:$0x3FDB];
	_ =	sdelay $0x1  }
0x9f: {  	s5 =	simm.s32 $_scs_section_size  }
0xa0: {  	s6 =	simm.s32 $_size__tile_overlayer_lowered;
	s7 =	simm.s32 $_tile_overlayer_lowered  }
0xa1: {  	s22 =	simm.s32 $0x1BFF;
	s21 =	sshll.u32 s7, $0x1;
	s4 =	sadd.s32 s5, s19  }
0xa2: {  	s8 =	simm.s32 $0x0;
	s20 =	sshll.u32 s6, $0x1;
	s6 =	sadd.s32 s21, s4  }
0xa3: {  	[timem:s8], [sflag:s22] =	dma.local [hbm:s6], s20  }
0xa4: {  	_ =	swait.ge [sflag:s22], s20  }
0xa5: {  	s5 =	ssub.s32 $0x0, s20;
	[sflag:s22] =	ssyncset.done $0x0  }
0xa6: {  	[sflag:s22] =	ssyncadd.s32 s5;
	_ =	sdelay $0x1  }
0xa7: {  	s23 =	simm.s32 $0x1B8B  }
0xa8: {  	_ =	swait.ge [sflag:s23], $0x1  }
0xa9: {  	[sflag:s23] =	ssyncset.done $0x0  }
0xaa: {  	s25 =	simm.s32 $0x1B8E;
	s24 =	sld [smem:$0x3FFE];
	[sflag:s23] =	ssyncadd.s32 $0xFFFFFFFF  }
0xab: {  	s26 =	simm.s32 $execute0_lowered;
	[smem:$0x3FD2] =	sst s25  }
0xac: {  	s6 =	sshll.u32 s26, $0x1;
	_ =	strace $0x80000049;
	[dreg:$0x1] =	wrdreg $0xFFFFFFFF  }
0xad: {  	s28 =	simm.s32 $_size_execute0_lowered;
	s4 =	sadd.s32 s4, s6;
	[dreg:$0x0] =	wrdreg $0x0  }
0xae: {  	s6 =	sshll.u32 s28, $0x1;
	[dreg:$0x2] =	wrdreg s4  }
0xaf: {  	[dreg:$0x3] =	wrdreg s6  }
0xb0: {  	[dreg:$0x4] =	wrdreg $0xC0  }
0xb1: {  	_ =	task [dreg:s8], $0x5FFFF  }
0xb2: {  	[dreg:$0x1] =	wrdreg $0xFFFFFFFF  }
0xb3: {  	[dreg:$0x0] =	wrdreg $0x60  }
0xb4: {  	[dreg:$0x2] =	wrdreg s24  }
0xb5: {  	[dreg:$0x3] =	wrdreg s16  }
0xb6: {  	[dreg:$0x4] =	wrdreg s17  }
0xb7: {  	[dreg:$0x5] =	wrdreg $0xA8000  }
0xb8: {  	[dreg:$0x6] =	wrdreg $0x9  }
0xb9: {  	_ =	task.clear_ibuf [dreg:s8], $0x7FFFF;
	_ =	strace $0x90000049  }
0xba: {  	s29 =	simm.s32 $0x9;
	_ =	strace $0x8000004B  }
0xbb: {  	_ =	swait.ge [sflag:s29], $0x1  }
0xbc: {  	[sflag:s29] =	ssyncadd.s32 $0xFFFFFFFF  }
0xbd: {  	_ =	strace $0x9000004B  }
0xbe: {  	_ =	sfence  }
0xbf: {  	s30 =	sld [smem:$0x0];
	_ =	sdelay $0x2  }
0xc0: {  	s31 =	sshll.u32 s1, $0xD;
	s1 =	sshrl.u32 s1, $0x2  }
0xc1: {  	s3 =	sand.u32 $0x4000, s31;
	s1 =	sadd.s32 s1, s30  }
0xc2: {  	s0 =	sor.u32 s3, s0;
	s1 =	sshll.u32 s1, $0x11  }
0xc3: {  	s0 =	sor.u32 s1, s0  }
0xc4: {  	s0 =	sadd.s32 $0x8F2B, s0  }
0xc5: {  	[sflag:s0] =	ssyncadd.remote.s32 $0x1  }
0xc6: {  	_ =	sfence.sel $0xFFFF  }
0xc7: {  	[dreg:$0x0] =	wrdreg $0xFFFFFFFF;
	(pc) =	sbr.abs _section_cstart, $3  }
0xc8: {  	[dreg:$0x1] =	wrdreg $0xFFFFFFFF  }
0xc9: {  	_ =	task.clear_ibuf [dreg:s8], $0x2FFFF;
	_ =	strace $0x9FFFFFFF  }
0xca: {  	(tm) =	ssettm $0x7FFFFFFF  }
0xcb: {  	_ =	shalt  }
tec
execute0_lowered:
.L_overlay_start_1:
0x0: {  	(tag) =	ssettag $0x1  }
0x1: {  	s5 =	rddreg [dreg:$0x0]  }
0x2: {  	s9 =	rddreg [dreg:$0x1]  }
0x3: {  	s10 =	rddreg [dreg:$0x2]  }
0x4: {  	s1 =	rddreg [dreg:$0x3]  }
0x5: {  	s0 =	rddreg [dreg:$0x4];
	s3 =	simm.s32 $0x0;
	s4 =	srdreg.scid  }
0x6: {  	s2 =	stileid.u32;
	s16 =	simm.s32 $0x79600;
	s17 =	simm.s32 $0x2800  }
0x7: {  	s18 =	simm.s32 $0x1;
	s19 =	simm.s32 $0x6800;
	s20 =	simm.s32 $0x2  }
0x8: {  	s21 =	simm.s32 $0x1380;
	s22 =	simm.s32 $0x2700;
	s23 =	simm.s32 $0x2780  }
0x9: {  	s24 =	simm.s32 $0x0;
	[smem:$0x7FF] =	sst s3;
	s6 =	smul.u32 $0x2780, s2  }
0xa: {  	s8 =	sand.u32 $0x1, s4;
	s11 =	smul.u32 $0x4F000, s2;
	s30 =	sshll.u32 s2, $0x6  }
0xb: {  	_ =	strace $0x8000004A;
	s4 =	sshll.u32 s8, $0x4;
	s7 =	ssub.s32 $0x2, s8  }
0xc: {  	p0 =	seq.s32 s8, $0x1;
	s12 =	sor.u32 s2, s4;
	s4 =	sadd.s32 $0x3400, s5  }
0xd: {  	s13 =	sshrl.u32 s7, $0x1;
	s14 =	sadd.s32 s6, s5;
	s29 =	sshrl.u32 s11, $0x2  }
0xe: {  	s6 =	sor.u32 $0x1C03, s30;
	s16 =	simm.s32 @!p0 $0x51E00;
	s12 =	smul.u32 $0x2800, s12  }
0xf: {  	s13 =	ssub.s32 s7, s13;
	s15 =	sadd.s32 s29, s1;
	s5 =	sadd.s32 $0x2A600, s14  }
0x10: {  	s11 =	smax.u32 s13, $0x1;
	s13 =	sshrl.u32 s15, $0x3;
	s31 =	sshrl.u32 s12, $0x3  }
0x11: {  	s15 =	simm.s32 $0x1400;
	s7 =	sadd.s32 s9, s31;
	s12 =	sadd.s32 $0x280, s31  }
0x12: {  	s8 =	sadd.s32 s10, s31;
	s9 =	sadd.s32 s9, s12;
	s10 =	sadd.s32 s10, s12  }
0x13: {  	s12 =	sadd.s32 s16, s14;
	s14 =	simm.s32 $0x3;
	s16 =	simm.s32 $0x80  }
.LBB2_1:
0x14: {  	[spmem:s13], [sflag:s6] =	dma.local [hbm:s5], $0x2780  }
0x15: {  	_ =	swait.ge [sflag:s14], $0x2780  }
0x16: {  	[sflag:s14] =	ssyncset.done $0x0  }
0x17: {  	[sflag:s14] =	ssyncadd.s32 $0xFFFFD880  }
0x18: {  	[bflag:$0x0] =	sbarrier.arrive $0xFFFF  }
0x19: {  	[tilespmem:s3], [sflag:$0x3] =	stream.linear.gather [hbm4b:s7+s3], $0x1400, $0x38;
	[tilespmem:$0x1E400] =	vst v63  }
0x1a: {  	_ =	swait.ge [sflag:s14], $0x1400  }
0x1b: {  	[sflag:s14] =	ssyncset.done $0x0  }
0x1c: {  	[sflag:s14] =	ssyncadd.s32 $0xFFFFEC00  }
0x1d: {  	[tilespmem:s15], [sflag:$0x3] =	stream.linear.gather [hbm4b:s8+s3], $0x1400, $0x38;
	[tilespmem:$0x1E400] =	vst v63  }
0x1e: {  	_ =	swait.ge [sflag:s14], $0x1400  }
0x1f: {  	[sflag:s14] =	ssyncset.done $0x0  }
0x20: {  	[sflag:s14] =	ssyncadd.s32 $0xFFFFEC00  }
0x21: {  	[tilespmem:s17], [sflag:$0x1] =	stream.indirect.gather [hbm4b:s4+s16], $0x80, s3, s16, $0xb8;
	[tilespmem:$0x1E400] =	vst v63  }
0x22: {  	_ =	swait.ge [sflag:s18], $0x4000  }
0x23: {  	[sflag:s18] =	ssyncset.done $0x0  }
0x24: {  	s25 =	simm.s32 $0x80;
	[sflag:s18] =	ssyncadd.s32 $0xFFFFC000  }
0x25: {  	[tilespmem:s19], [sflag:$0x2] =	stream.indirect.gather [hbm4b:s4+s16], $0x80, s25, s16, $0xb8;
	[tilespmem:$0x1E400] =	vst v63  }
0x26: {  	s29 =	simm.s32 $0x1400  }
0x27: {  	[spmem:s1] =	stream.indirect.scatter.add.f32 [tilespmem:s17], [sflag:$0x3], $0x80, s29, s16, $0xb8;
	[tilespmem:$0x1E400] =	vst v63  }
0x28: {  	_ =	swait.ge [sflag:s14], $0x4000  }
0x29: {  	[sflag:s14] =	ssyncset.done $0x0  }
0x2a: {  	[sflag:s14] =	ssyncadd.s32 $0xFFFFC000  }
0x2b: {  	_ =	swait.ge [sflag:s20], $0x4000  }
0x2c: {  	[sflag:s20] =	ssyncset.done $0x0  }
0x2d: {  	s30 =	simm.s32 $0x100;
	[sflag:s20] =	ssyncadd.s32 $0xFFFFC000  }
0x2e: {  	[tilespmem:s17], [sflag:$0x1] =	stream.indirect.gather [hbm4b:s4+s16], $0x80, s30, s16, $0xb8;
	[tilespmem:$0x1E400] =	vst v63  }
0x2f: {  	s31 =	simm.s32 $0x1480  }
0x30: {  	[spmem:s1] =	stream.indirect.scatter.add.f32 [tilespmem:s19], [sflag:$0x3], $0x80, s31, s16, $0xb8;
	[tilespmem:$0x1E400] =	vst v63  }
0x31: {  	_ =	swait.ge [sflag:s14], $0x4000  }
0x32: {  	s25 =	simm.s32 $0x400;
	[sflag:s14] =	ssyncset.done $0x0  }
.LBB2_2:
0x33: {  	p0 =	sne.s32 s25, $0x4800  }
0x34: {  	[sflag:s14] =	ssyncadd.s32 $0xFFFFC000;
	s26 =	smov.u32 s25;
	s25 =	sadd.s32 $0x400, s25  }
0x35: {  	_ = 	snop  }
0x36: {  	_ =	swait.ge [sflag:s18], $0x4000  }
0x37: {  	s26 =	sshra.s32 s26, $0x2;
	[sflag:s18] =	ssyncset.done $0x0  }
0x38: {  	s28 =	sadd.s32 $0x80, s26;
	[sflag:s18] =	ssyncadd.s32 $0xFFFFC000  }
0x39: {  	[tilespmem:s19], [sflag:$0x2] =	stream.indirect.gather [hbm4b:s4+s16], $0x80, s28, s16, $0xb8;
	[tilespmem:$0x1E400] =	vst v63  }
0x3a: {  	s28 =	sadd.s32 $0x1400, s26  }
0x3b: {  	[spmem:s1] =	stream.indirect.scatter.add.f32 [tilespmem:s17], [sflag:$0x3], $0x80, s28, s16, $0xb8;
	[tilespmem:$0x1E400] =	vst v63  }
0x3c: {  	_ =	swait.ge [sflag:s14], $0x4000  }
0x3d: {  	[sflag:s14] =	ssyncset.done $0x0  }
0x3e: {  	[sflag:s14] =	ssyncadd.s32 $0xFFFFC000  }
0x3f: {  	_ =	swait.ge [sflag:s20], $0x4000  }
0x40: {  	[sflag:s20] =	ssyncset.done $0x0  }
0x41: {  	s28 =	sadd.s32 $0x100, s26;
	[sflag:s20] =	ssyncadd.s32 $0xFFFFC000  }
0x42: {  	[tilespmem:s17], [sflag:$0x1] =	stream.indirect.gather [hbm4b:s4+s16], $0x80, s28, s16, $0xb8;
	[tilespmem:$0x1E400] =	vst v63  }
.Ltmp0:
0x43: {  	_ = 	snop;
	(pc) =	sbr.rel @p0 .LBB2_2-.Ltmp0, $4  }
0x44: {  	s26 =	sadd.s32 $0x1480, s26  }
0x45: {  	[spmem:s1] =	stream.indirect.scatter.add.f32 [tilespmem:s19], [sflag:$0x3], $0x80, s26, s16, $0xb8;
	[tilespmem:$0x1E400] =	vst v63  }
0x46: {  	_ =	swait.ge [sflag:s14], $0x4000  }
0x47: {  	[sflag:s14] =	ssyncset.done $0x0  }
0x48: {  	[sflag:s14] =	ssyncadd.s32 $0xFFFFC000  }
0x49: {  	_ =	swait.ge [sflag:s18], $0x4000  }
0x4a: {  	[sflag:s18] =	ssyncset.done $0x0  }
0x4b: {  	[sflag:s18] =	ssyncadd.s32 $0xFFFFC000  }
0x4c: {  	[tilespmem:s19], [sflag:$0x2] =	stream.indirect.gather [hbm4b:s4+s16], $0x80, s21, s16, $0xb8;
	[tilespmem:$0x1E400] =	vst v63  }
0x4d: {  	_ = 	snop  }
0x4e: {  	[spmem:s1] =	stream.indirect.scatter.add.f32 [tilespmem:s17], [sflag:$0x3], $0x80, s22, s16, $0xb8;
	[tilespmem:$0x1E400] =	vst v63  }
0x4f: {  	_ =	swait.ge [sflag:s14], $0x4000  }
0x50: {  	[sflag:s14] =	ssyncset.done $0x0  }
0x51: {  	[sflag:s14] =	ssyncadd.s32 $0xFFFFC000  }
0x52: {  	_ =	swait.ge [sflag:s20], $0x4000  }
0x53: {  	[sflag:s20] =	ssyncset.done $0x0  }
0x54: {  	[sflag:s20] =	ssyncadd.s32 $0xFFFFC000  }
0x55: {  	[spmem:s1] =	stream.indirect.scatter.add.f32 [tilespmem:s19], [sflag:$0x3], $0x80, s23, s16, $0xb8;
	[tilespmem:$0x1E400] =	vst v63  }
0x56: {  	_ =	swait.ge [sflag:s14], $0x4000  }
0x57: {  	[sflag:s14] =	ssyncset.done $0x0  }
0x58: {  	s25 =	simm.s32 $0x0;
	[sflag:s14] =	ssyncadd.s32 $0xFFFFC000  }
0x59: {  	[tilespmem:s25], [sflag:$0x3] =	stream.linear.gather [hbm4b:s9+s25], $0x1400, $0x38;
	[tilespmem:$0x1E400] =	vst v63  }
0x5a: {  	_ =	swait.ge [sflag:s14], $0x1400  }
0x5b: {  	[sflag:s14] =	ssyncset.done $0x0  }
0x5c: {  	[sflag:s14] =	ssyncadd.s32 $0xFFFFEC00  }
0x5d: {  	[tilespmem:s15], [sflag:$0x3] =	stream.linear.gather [hbm4b:s10+s25], $0x1400, $0x38;
	[tilespmem:$0x1E400] =	vst v63  }
0x5e: {  	_ =	swait.ge [sflag:s14], $0x1400  }
0x5f: {  	[sflag:s14] =	ssyncset.done $0x0  }
0x60: {  	[sflag:s14] =	ssyncadd.s32 $0xFFFFEC00  }
0x61: {  	[tilespmem:s17], [sflag:$0x1] =	stream.indirect.gather [hbm4b:s4+s16], $0x80, s25, s16, $0xb8;
	[tilespmem:$0x1E400] =	vst v63  }
0x62: {  	_ =	swait.ge [sflag:s18], $0x4000  }
0x63: {  	[sflag:s18] =	ssyncset.done $0x0  }
0x64: {  	s28 =	simm.s32 $0x80;
	[sflag:s18] =	ssyncadd.s32 $0xFFFFC000  }
0x65: {  	[tilespmem:s19], [sflag:$0x2] =	stream.indirect.gather [hbm4b:s4+s16], $0x80, s28, s16, $0xb8;
	[tilespmem:$0x1E400] =	vst v63  }
0x66: {  	s29 =	simm.s32 $0x1400  }
0x67: {  	[spmem:s1] =	stream.indirect.scatter.add.f32 [tilespmem:s17], [sflag:$0x3], $0x80, s29, s16, $0xb8;
	[tilespmem:$0x1E400] =	vst v63  }
0x68: {  	_ =	swait.ge [sflag:s14], $0x4000  }
0x69: {  	[sflag:s14] =	ssyncset.done $0x0  }
0x6a: {  	[sflag:s14] =	ssyncadd.s32 $0xFFFFC000  }
0x6b: {  	_ =	swait.ge [sflag:s20], $0x4000  }
0x6c: {  	[sflag:s20] =	ssyncset.done $0x0  }
0x6d: {  	s30 =	simm.s32 $0x100;
	[sflag:s20] =	ssyncadd.s32 $0xFFFFC000  }
0x6e: {  	[tilespmem:s17], [sflag:$0x1] =	stream.indirect.gather [hbm4b:s4+s16], $0x80, s30, s16, $0xb8;
	[tilespmem:$0x1E400] =	vst v63  }
0x6f: {  	s31 =	simm.s32 $0x1480  }
0x70: {  	[spmem:s1] =	stream.indirect.scatter.add.f32 [tilespmem:s19], [sflag:$0x3], $0x80, s31, s16, $0xb8;
	[tilespmem:$0x1E400] =	vst v63  }
0x71: {  	_ =	swait.ge [sflag:s14], $0x4000  }
0x72: {  	s25 =	simm.s32 $0x400;
	[sflag:s14] =	ssyncset.done $0x0  }
.LBB2_4:
0x73: {  	p0 =	sne.s32 s25, $0x4800  }
0x74: {  	[sflag:s14] =	ssyncadd.s32 $0xFFFFC000;
	s26 =	smov.u32 s25;
	s25 =	sadd.s32 $0x400, s25  }
0x75: {  	_ = 	snop  }
0x76: {  	_ =	swait.ge [sflag:s18], $0x4000  }
0x77: {  	s26 =	sshra.s32 s26, $0x2;
	[sflag:s18] =	ssyncset.done $0x0  }
0x78: {  	s28 =	sadd.s32 $0x80, s26;
	[sflag:s18] =	ssyncadd.s32 $0xFFFFC000  }
0x79: {  	[tilespmem:s19], [sflag:$0x2] =	stream.indirect.gather [hbm4b:s4+s16], $0x80, s28, s16, $0xb8;
	[tilespmem:$0x1E400] =	vst v63  }
0x7a: {  	s28 =	sadd.s32 $0x1400, s26  }
0x7b: {  	[spmem:s1] =	stream.indirect.scatter.add.f32 [tilespmem:s17], [sflag:$0x3], $0x80, s28, s16, $0xb8;
	[tilespmem:$0x1E400] =	vst v63  }
0x7c: {  	_ =	swait.ge [sflag:s14], $0x4000  }
0x7d: {  	[sflag:s14] =	ssyncset.done $0x0  }
0x7e: {  	[sflag:s14] =	ssyncadd.s32 $0xFFFFC000  }
0x7f: {  	_ =	swait.ge [sflag:s20], $0x4000  }
0x80: {  	[sflag:s20] =	ssyncset.done $0x0  }
0x81: {  	s28 =	sadd.s32 $0x100, s26;
	[sflag:s20] =	ssyncadd.s32 $0xFFFFC000  }
0x82: {  	[tilespmem:s17], [sflag:$0x1] =	stream.indirect.gather [hbm4b:s4+s16], $0x80, s28, s16, $0xb8;
	[tilespmem:$0x1E400] =	vst v63  }
.Ltmp1:
0x83: {  	_ = 	snop;
	(pc) =	sbr.rel @p0 .LBB2_4-.Ltmp1, $4  }
0x84: {  	s26 =	sadd.s32 $0x1480, s26  }
0x85: {  	[spmem:s1] =	stream.indirect.scatter.add.f32 [tilespmem:s19], [sflag:$0x3], $0x80, s26, s16, $0xb8;
	[tilespmem:$0x1E400] =	vst v63  }
0x86: {  	_ =	swait.ge [sflag:s14], $0x4000  }
0x87: {  	[sflag:s14] =	ssyncset.done $0x0  }
0x88: {  	[sflag:s14] =	ssyncadd.s32 $0xFFFFC000  }
0x89: {  	_ =	swait.ge [sflag:s18], $0x4000  }
0x8a: {  	[sflag:s18] =	ssyncset.done $0x0  }
0x8b: {  	[sflag:s18] =	ssyncadd.s32 $0xFFFFC000  }
0x8c: {  	[tilespmem:s19], [sflag:$0x2] =	stream.indirect.gather [hbm4b:s4+s16], $0x80, s21, s16, $0xb8;
	[tilespmem:$0x1E400] =	vst v63  }
0x8d: {  	_ = 	snop  }
0x8e: {  	[spmem:s1] =	stream.indirect.scatter.add.f32 [tilespmem:s17], [sflag:$0x3], $0x80, s22, s16, $0xb8;
	[tilespmem:$0x1E400] =	vst v63  }
0x8f: {  	_ =	swait.ge [sflag:s14], $0x4000  }
0x90: {  	[sflag:s14] =	ssyncset.done $0x0  }
0x91: {  	[sflag:s14] =	ssyncadd.s32 $0xFFFFC000  }
0x92: {  	_ =	swait.ge [sflag:s20], $0x4000  }
0x93: {  	[sflag:s20] =	ssyncset.done $0x0  }
0x94: {  	[sflag:s20] =	ssyncadd.s32 $0xFFFFC000  }
0x95: {  	[spmem:s1] =	stream.indirect.scatter.add.f32 [tilespmem:s19], [sflag:$0x3], $0x80, s23, s16, $0xb8;
	[tilespmem:$0x1E400] =	vst v63  }
0x96: {  	_ =	swait.ge [sflag:s14], $0x4000  }
0x97: {  	s24 =	sadd.s32 $0x1, s24;
	[sflag:s14] =	ssyncset.done $0x0  }
0x98: {  	p0 =	sne.s32 s24, s11;
	[sflag:s14] =	ssyncadd.s32 $0xFFFFC000  }
.Ltmp2:
0x99: {  	[bflag:$0x0] =	sbarrier.arrive $0xFFFF;
	(pc) =	sbr.rel @p0 .LBB2_1-.Ltmp2, $4  }
0x9a: {  	[hbm:s12], [sflag:s6] =	dma.local [spmem:s13], $0x2780  }
0x9b: {  	_ =	swait.ge [sflag:s14], $0x2780  }
0x9c: {  	[sflag:s14] =	ssyncset.done $0x0  }
0x9d: {  	[sflag:s14] =	ssyncadd.s32 $0xFFFFD880  }
0x9e: {  	_ =	sfence.sel $0x180000  }
0x9f: {  	[bflag:$0x0] =	sbarrier.arrive $0xFFFF  }
0xa0: {  	p0 =	sne.s32 s2, $0x0;
	_ =	strace $0x9000004A  }
0xa1: {  	s0 =	sadd.s32 @!p0 $0x100000, s0;
	[bflag:$0x2] =	sbarrier.arrive $0xFFFF  }
0xa2: {  	[sflag:s0] =	ssyncadd.tile.s32 @!p0 $0x1;
	_ =	shalt  }
.Lfunc_end2:
_tile_overlayer_lowered:
.L_overlay_start_2:
0xa3: {  	(tag) =	ssettag $0x2  }
0xa4: {  	s0 =	rddreg [dreg:$0x0];
	s2 =	stileid.u32  }
0xa5: {  	s1 =	rddreg [dreg:$0x1];
	p0 =	sne.s32 s2, $0x0  }
0xa6: {  	s3 =	rddreg [dreg:$0x2];
	[bflag:$0x3] =	sbarrier.arrive $0xFFFF;
	s2 =	simm.s32 @!p0 $0x1C03  }
0xa7: {  	[timem:s3], [sflag:s2] =	dma.local @!p0 [hbm:s0], s1  }
0xa8: {  	s0 =	simm.s32 @!p0 $0x3  }
0xa9: {  	_ =	swait.ge @!p0 [sflag:s0], s1  }
0xaa: {  	s1 =	ssub.s32 @!p0 $0x0, s1;
	[sflag:s0] =	ssyncset.done @!p0 $0x0  }
0xab: {  	[sflag:s0] =	ssyncadd.s32 @!p0 s1  }
0xac: {  	[bflag:$0x3] =	sbarrier.arrive $0xFFFF  }
0xad: {  	_ =	shalt  }

// kernel: kernel.14.cloned.1.call-start
scs
__scs_entry_jumppad:
0x0: {  	(pc) =	sbr.rel $0x88, $3  }
0x1: {  	(tag) =	ssettag $0x0;
	lr =	simm.s32 $0x1  }
0x2: {  	[smem:$0x3F99] =	sst lr;
	_ =	strace $0xD0000000  }
0x3: {  	_ = 	snop  }
0x4: {  	_ = 	snop  }
0x5: {  	_ = 	snop  }
0x6: {  	_ = 	snop  }
0x7: {  	_ = 	snop  }
__scs_overlays_trampoline_lowered:
0x8: {  	[smem:$0x3FA8] =	sst s0  }
0x9: {  	[smem:$0x3FA9] =	sst s1  }
0xa: {  	[smem:$0x3FAA] =	sst s2  }
0xb: {  	[smem:$0x3FAB] =	sst s3  }
0xc: {  	[smem:$0x3FAC] =	sst s4  }
0xd: {  	[smem:$0x3FAD] =	sst s5  }
0xe: {  	[smem:$0x3FAE] =	sst s6  }
0xf: {  	[smem:$0x3FAF] =	sst s7  }
0x10: {  	[smem:$0x3FB0] =	sst s8  }
0x11: {  	[smem:$0x3FB1] =	sst s9;
	s0 =	simm.s32 @!p0 $0x0  }
0x12: {  	s1 =	sld [smem:$0x3F97];
	s0 =	simm.s32 @p0 $0x1  }
0x13: {  	[smem:$0x3FB2] =	sst s0;
	s0 =	simm.s32 @!p1 $0x0  }
0x14: {  	s2 =	sld [smem:$0x3F96];
	s0 =	simm.s32 @p1 $0x1  }
0x15: {  	[smem:$0x3FB3] =	sst s0;
	s0 =	simm.s32 @!p2 $0x0  }
0x16: {  	s3 =	sld [smem:$0x3FDB];
	s0 =	simm.s32 @p2 $0x1  }
0x17: {  	s4 =	simm.s32 $0x1BF5;
	[smem:$0x3FB5] =	sst s0  }
0x18: {  	s0 =	sld [smem:$0x3F98];
	_ =	swait.ge [sflag:s4], $0x0  }
0x19: {  	s7 =	sld [smem:$0x3F99]  }
0x1a: {  	s8 =	sadd.s32 $0xFFFFE003, lr  }
0x1b: {  	s9 =	sadd.s32 $0xFFFFFEF7, lr;
	s5 =	simm.s32 $0xFFFFFFFF;
	p2 =	slt.u32 s8, $0xFFFFF086  }
0x1c: {  	p1 =	slt.u32 s9, $0xF7A;
	s5 =	simm.s32 @!p2 $0x0  }
0x1d: {  	s5 =	simm.s32 @p1 $0x1;
	p0 =	seq.s32 s7, s2  }
0x1e: {  	s7 =	smul.u32 @!p0 $0xF7A, s2;
	p2 =	seq.s32 @!p0 s5, $0x0  }
0x1f: {  	s9 =	smul.u32 $0xF7A, s1;
	s8 =	simm.s32 @!p0 $0x1BF5;
	p2 =	por !p2, p0  }
0x20: {  	[sflag:s8] =	ssyncset.s32 @!p0 $0xFFFFF086;
	s6 =	sadd.s32 @!p0 s3, s7;
	s7 =	simm.s32 @!p0 $0x108  }
0x21: {  	s3 =	sadd.s32 s3, s9;
	s6 =	sadd.s32 @!p0 $0x88, s6;
	s7 =	simm.s32 @p2 $0x1082  }
0x22: {  	[simem:s7], [sflag:s8] =	dma.local @!p0 [hbm:s6], $0xF7A  }
0x23: {  	s9 =	sor.u32 $0xD0000000, s2;
	s6 =	simm.s32 $0x108;
	_ =	swait.ge @!p0 [sflag:s8], $0x0  }
0x24: {  	s3 =	sadd.s32 $0x88, s3;
	s6 =	simm.s32 @!p1 $0x1082;
	[sflag:s4] =	ssyncset.s32 $0xFFFFF086  }
0x25: {  	[simem:s6], [sflag:s4] =	dma.local [hbm:s3], $0xF7A  }
0x26: {  	[smem:$0x3F99] =	sst s1;
	(tag) =	ssettag s2;
	_ =	strace s9  }
0x27: {  	s1 =	sld [smem:$0x3FA9]  }
0x28: {  	s2 =	sld [smem:$0x3FAA]  }
0x29: {  	s4 =	sld [smem:$0x3FAC]  }
0x2a: {  	p0 =	seq.s32 s5, $0x0;
	s5 =	sld [smem:$0x3FAD]  }
0x2b: {  	s6 =	sld [smem:$0x3FAE]  }
0x2c: {  	s7 =	sld [smem:$0x3FAF]  }
0x2d: {  	s3 =	simm.s32 $0x108;
	s8 =	sld [smem:$0x3FB0]  }
0x2e: {  	s3 =	simm.s32 @!p0 $0x1082;
	s9 =	sld [smem:$0x3FB1]  }
0x2f: {  	lr =	sadd.s32 s0, s3;
	s0 =	sld [smem:$0x3FA8]  }
0x30: {  	s3 =	sld [smem:$0x3FAB]  }
0x31: {  	[smem:$0x3FB4] =	sst s10  }
0x32: {  	s10 =	sld [smem:$0x3FB2];
	_ =	sdelay $0x3  }
0x33: {  	p0 =	seq.s32 s10, $0x1;
	s10 =	sld [smem:$0x3FB4];
	_ =	sdelay $0x3  }
0x34: {  	[smem:$0x3FB4] =	sst s10  }
0x35: {  	s10 =	sld [smem:$0x3FB3];
	_ =	sdelay $0x3  }
0x36: {  	p1 =	seq.s32 s10, $0x1;
	s10 =	sld [smem:$0x3FB4];
	_ =	sdelay $0x3  }
0x37: {  	[smem:$0x3FB4] =	sst s10  }
0x38: {  	s10 =	sld [smem:$0x3FB5]  }
0x39: {  	_ = 	snop;
	(pc) =	sbr.ind lr, $3  }
0x3a: {  	_ = 	snop  }
0x3b: {  	_ = 	snop  }
0x3c: {  	p2 =	seq.s32 s10, $0x1;
	s10 =	sld [smem:$0x3FB4]  }
0x3d: {  	_ =	shalt  }
0x3e: {  	_ =	shalt  }
0x3f: {  	_ =	shalt  }
0x40: {  	_ =	shalt  }
0x41: {  	_ =	shalt  }
0x42: {  	_ =	shalt  }
0x43: {  	_ =	shalt  }
0x44: {  	_ =	shalt  }
0x45: {  	_ =	shalt  }
0x46: {  	_ =	shalt  }
0x47: {  	_ =	shalt  }
0x48: {  	_ =	shalt  }
0x49: {  	_ =	shalt  }
0x4a: {  	_ =	shalt  }
0x4b: {  	_ =	shalt  }
0x4c: {  	_ =	shalt  }
0x4d: {  	_ =	shalt  }
0x4e: {  	_ =	shalt  }
0x4f: {  	_ =	shalt  }
0x50: {  	_ =	shalt  }
0x51: {  	_ =	shalt  }
0x52: {  	_ =	shalt  }
0x53: {  	_ =	shalt  }
0x54: {  	_ =	shalt  }
0x55: {  	_ =	shalt  }
0x56: {  	_ =	shalt  }
0x57: {  	_ =	shalt  }
0x58: {  	_ =	shalt  }
0x59: {  	_ =	shalt  }
0x5a: {  	_ =	shalt  }
0x5b: {  	_ =	shalt  }
0x5c: {  	_ =	shalt  }
0x5d: {  	_ =	shalt  }
0x5e: {  	_ =	shalt  }
0x5f: {  	_ =	shalt  }
0x60: {  	_ =	shalt  }
0x61: {  	_ =	shalt  }
0x62: {  	_ =	shalt  }
0x63: {  	_ =	shalt  }
0x64: {  	_ =	shalt  }
0x65: {  	_ =	shalt  }
0x66: {  	_ =	shalt  }
0x67: {  	_ =	shalt  }
0x68: {  	_ =	shalt  }
0x69: {  	_ =	shalt  }
0x6a: {  	_ =	shalt  }
0x6b: {  	_ =	shalt  }
0x6c: {  	_ =	shalt  }
0x6d: {  	_ =	shalt  }
0x6e: {  	_ =	shalt  }
0x6f: {  	_ =	shalt  }
0x70: {  	_ =	shalt  }
0x71: {  	_ =	shalt  }
0x72: {  	_ =	shalt  }
0x73: {  	_ =	shalt  }
0x74: {  	_ =	shalt  }
0x75: {  	_ =	shalt  }
0x76: {  	_ =	shalt  }
0x77: {  	_ =	shalt  }
0x78: {  	_ =	shalt  }
0x79: {  	_ =	shalt  }
0x7a: {  	_ =	shalt  }
0x7b: {  	_ =	shalt  }
0x7c: {  	_ =	shalt  }
0x7d: {  	_ =	shalt  }
0x7e: {  	_ =	shalt  }
0x7f: {  	_ =	shalt  }
0x80: {  	_ =	shalt  }
0x81: {  	_ =	shalt  }
0x82: {  	_ =	shalt  }
0x83: {  	_ =	shalt  }
0x84: {  	_ =	shalt  }
0x85: {  	_ =	shalt  }
0x86: {  	_ =	shalt  }
0x87: {  	_ =	shalt  }
.Lfunc_end0:
.L_simem_size_0:
called_computation.2_lowered:
.L_overlay_start_0:
0x88: {  	s2 =	sld [smem:$0x3FD9]  }
0x89: {  	s3 =	sld [smem:$0x3FFE];
	_ =	sdelay $0x1  }
0x8a: {  	s1 =	srdreg.scid  }
0x8b: {  	s0 =	sand.u32 $0x1, s1  }
0x8c: {  	s14 =	sshll.u32 s0, $0xA;
	s2 =	sadd.s32 s3, s2  }
0x8d: {  	s2 =	sadd.s32 s2, s14  }
0x8e: {  	[smem:$0x3FC0] =	sst s2  }
0x8f: {  	_ = 	snop  }
0x90: {  	s2 =	sld [smem:$0x3FD0];
	_ =	sdelay $0x2  }
0x91: {  	s15 =	simm.s32 $0xA;
	s4 =	simm.s32 $0x10  }
0x92: {  	[smem:s4], [sflag:s15] =	dma.local [hbm:s2], $0x1  }
0x93: {  	_ =	swait.eq [sflag:s15], $0x1  }
0x94: {  	[sflag:s15] =	ssyncset.done $0x0  }
0x95: {  	s16 =	sld [smem:$0x10];
	[sflag:s15] =	ssyncadd.s32 $0xFFFFFFFF  }
0x96: {  	s17 =	sld [smem:$0x11];
	(tm) =	ssettm $0x1  }
0x97: {  	s18 =	sld [smem:$0x3FFB];
	_ =	sdelay $0x3  }
0x98: {  	_ =	strace s18  }
0x99: {  	s4 =	sld [smem:$0x3FFC];
	_ =	sdelay $0x3  }
0x9a: {  	_ =	strace s4  }
0x9b: {  	s4 =	sld [smem:$0x3FFD];
	_ =	sdelay $0x3  }
0x9c: {  	_ =	strace s4  }
0x9d: {  	_ =	strace $0x8FFFFFFF  }
0x9e: {  	s19 =	sld [smem:$0x3FDB];
	_ =	sdelay $0x1  }
0x9f: {  	s5 =	simm.s32 $_scs_section_size  }
0xa0: {  	s6 =	simm.s32 $_size__tile_overlayer_lowered;
	s7 =	simm.s32 $_tile_overlayer_lowered  }
0xa1: {  	s22 =	simm.s32 $0x1BFF;
	s21 =	sshll.u32 s7, $0x1;
	s4 =	sadd.s32 s5, s19  }
0xa2: {  	s8 =	simm.s32 $0x0;
	s20 =	sshll.u32 s6, $0x1;
	s6 =	sadd.s32 s21, s4  }
0xa3: {  	[timem:s8], [sflag:s22] =	dma.local [hbm:s6], s20  }
0xa4: {  	_ =	swait.ge [sflag:s22], s20  }
0xa5: {  	s5 =	ssub.s32 $0x0, s20;
	[sflag:s22] =	ssyncset.done $0x0  }
0xa6: {  	[sflag:s22] =	ssyncadd.s32 s5;
	_ =	sdelay $0x1  }
0xa7: {  	s23 =	simm.s32 $0x1B8B  }
0xa8: {  	_ =	swait.ge [sflag:s23], $0x1  }
0xa9: {  	[sflag:s23] =	ssyncset.done $0x0  }
0xaa: {  	s25 =	simm.s32 $0x1B8E;
	s24 =	sld [smem:$0x3FFE];
	[sflag:s23] =	ssyncadd.s32 $0xFFFFFFFF  }
0xab: {  	s26 =	simm.s32 $execute0_lowered;
	[smem:$0x3FD2] =	sst s25  }
0xac: {  	s6 =	sshll.u32 s26, $0x1;
	_ =	strace $0x8000004C;
	[dreg:$0x1] =	wrdreg $0xFFFFFFFF  }
0xad: {  	s28 =	simm.s32 $_size_execute0_lowered;
	s4 =	sadd.s32 s4, s6;
	[dreg:$0x0] =	wrdreg $0x0  }
0xae: {  	s6 =	sshll.u32 s28, $0x1;
	[dreg:$0x2] =	wrdreg s4  }
0xaf: {  	[dreg:$0x3] =	wrdreg s6  }
0xb0: {  	[dreg:$0x4] =	wrdreg $0xC0  }
0xb1: {  	_ =	task [dreg:s8], $0x5FFFF  }
0xb2: {  	[dreg:$0x1] =	wrdreg $0xFFFFFFFF  }
0xb3: {  	[dreg:$0x0] =	wrdreg $0x60  }
0xb4: {  	[dreg:$0x2] =	wrdreg s24  }
0xb5: {  	[dreg:$0x3] =	wrdreg s16  }
0xb6: {  	[dreg:$0x4] =	wrdreg s17  }
0xb7: {  	[dreg:$0x5] =	wrdreg $0xA8000  }
0xb8: {  	[dreg:$0x6] =	wrdreg $0x9  }
0xb9: {  	_ =	task.clear_ibuf [dreg:s8], $0x7FFFF;
	_ =	strace $0x9000004C  }
0xba: {  	s29 =	simm.s32 $0x9;
	_ =	strace $0x8000004E  }
0xbb: {  	_ =	swait.ge [sflag:s29], $0x1  }
0xbc: {  	[sflag:s29] =	ssyncadd.s32 $0xFFFFFFFF  }
0xbd: {  	_ =	strace $0x9000004E  }
0xbe: {  	_ =	sfence  }
0xbf: {  	s30 =	sld [smem:$0x0];
	_ =	sdelay $0x2  }
0xc0: {  	s31 =	sshll.u32 s1, $0xD;
	s1 =	sshrl.u32 s1, $0x2  }
0xc1: {  	s3 =	sand.u32 $0x4000, s31;
	s1 =	sadd.s32 s1, s30  }
0xc2: {  	s0 =	sor.u32 s3, s0;
	s1 =	sshll.u32 s1, $0x11  }
0xc3: {  	s0 =	sor.u32 s1, s0  }
0xc4: {  	s0 =	sadd.s32 $0x8F2B, s0  }
0xc5: {  	[sflag:s0] =	ssyncadd.remote.s32 $0x1  }
0xc6: {  	_ =	sfence.sel $0xFFFF  }
0xc7: {  	[dreg:$0x0] =	wrdreg $0xFFFFFFFF;
	(pc) =	sbr.abs _section_cstart, $3  }
0xc8: {  	[dreg:$0x1] =	wrdreg $0xFFFFFFFF  }
0xc9: {  	_ =	task.clear_ibuf [dreg:s8], $0x2FFFF;
	_ =	strace $0x9FFFFFFF  }
0xca: {  	(tm) =	ssettm $0x7FFFFFFF  }
0xcb: {  	_ =	shalt  }
tec
execute0_lowered:
.L_overlay_start_1:
0x0: {  	(tag) =	ssettag $0x1  }
0x1: {  	s5 =	rddreg [dreg:$0x0]  }
0x2: {  	s9 =	rddreg [dreg:$0x1]  }
0x3: {  	s10 =	rddreg [dreg:$0x2]  }
0x4: {  	s1 =	rddreg [dreg:$0x3]  }
0x5: {  	s0 =	rddreg [dreg:$0x4];
	s3 =	simm.s32 $0x0;
	s4 =	srdreg.scid  }
0x6: {  	s2 =	stileid.u32;
	s16 =	simm.s32 $0x79600;
	s17 =	simm.s32 $0x2800  }
0x7: {  	s18 =	simm.s32 $0x1;
	s19 =	simm.s32 $0x6800;
	s20 =	simm.s32 $0x2  }
0x8: {  	s21 =	simm.s32 $0x1380;
	s22 =	simm.s32 $0x2700;
	s23 =	simm.s32 $0x2780  }
0x9: {  	s24 =	simm.s32 $0x0;
	[smem:$0x7FF] =	sst s3;
	s6 =	smul.u32 $0x2780, s2  }
0xa: {  	s8 =	sand.u32 $0x1, s4;
	s11 =	smul.u32 $0x4F000, s2;
	s30 =	sshll.u32 s2, $0x6  }
0xb: {  	_ =	strace $0x8000004D;
	s4 =	sshll.u32 s8, $0x4;
	s7 =	ssub.s32 $0x2, s8  }
0xc: {  	p0 =	seq.s32 s8, $0x1;
	s12 =	sor.u32 s2, s4;
	s4 =	sadd.s32 $0x3400, s5  }
0xd: {  	s13 =	sshrl.u32 s7, $0x1;
	s14 =	sadd.s32 s6, s5;
	s29 =	sshrl.u32 s11, $0x2  }
0xe: {  	s6 =	sor.u32 $0x1C03, s30;
	s16 =	simm.s32 @!p0 $0x51E00;
	s12 =	smul.u32 $0x2800, s12  }
0xf: {  	s13 =	ssub.s32 s7, s13;
	s15 =	sadd.s32 s29, s1;
	s5 =	sadd.s32 $0x2A600, s14  }
0x10: {  	s11 =	smax.u32 s13, $0x1;
	s13 =	sshrl.u32 s15, $0x3;
	s31 =	sshrl.u32 s12, $0x3  }
0x11: {  	s15 =	simm.s32 $0x1400;
	s7 =	sadd.s32 s9, s31;
	s12 =	sadd.s32 $0x280, s31  }
0x12: {  	s8 =	sadd.s32 s10, s31;
	s9 =	sadd.s32 s9, s12;
	s10 =	sadd.s32 s10, s12  }
0x13: {  	s12 =	sadd.s32 s16, s14;
	s14 =	simm.s32 $0x3;
	s16 =	simm.s32 $0x80  }
.LBB2_1:
0x14: {  	[spmem:s13], [sflag:s6] =	dma.local [hbm:s5], $0x2780  }
0x15: {  	_ =	swait.ge [sflag:s14], $0x2780  }
0x16: {  	[sflag:s14] =	ssyncset.done $0x0  }
0x17: {  	[sflag:s14] =	ssyncadd.s32 $0xFFFFD880  }
0x18: {  	[bflag:$0x0] =	sbarrier.arrive $0xFFFF  }
0x19: {  	[tilespmem:s3], [sflag:$0x3] =	stream.linear.gather [hbm4b:s7+s3], $0x1400, $0x38;
	[tilespmem:$0x1E400] =	vst v63  }
0x1a: {  	_ =	swait.ge [sflag:s14], $0x1400  }
0x1b: {  	[sflag:s14] =	ssyncset.done $0x0  }
0x1c: {  	[sflag:s14] =	ssyncadd.s32 $0xFFFFEC00  }
0x1d: {  	[tilespmem:s15], [sflag:$0x3] =	stream.linear.gather [hbm4b:s8+s3], $0x1400, $0x38;
	[tilespmem:$0x1E400] =	vst v63  }
0x1e: {  	_ =	swait.ge [sflag:s14], $0x1400  }
0x1f: {  	[sflag:s14] =	ssyncset.done $0x0  }
0x20: {  	[sflag:s14] =	ssyncadd.s32 $0xFFFFEC00  }
0x21: {  	[tilespmem:s17], [sflag:$0x1] =	stream.indirect.gather [hbm4b:s4+s16], $0x80, s3, s16, $0xb8;
	[tilespmem:$0x1E400] =	vst v63  }
0x22: {  	_ =	swait.ge [sflag:s18], $0x4000  }
0x23: {  	[sflag:s18] =	ssyncset.done $0x0  }
0x24: {  	s25 =	simm.s32 $0x80;
	[sflag:s18] =	ssyncadd.s32 $0xFFFFC000  }
0x25: {  	[tilespmem:s19], [sflag:$0x2] =	stream.indirect.gather [hbm4b:s4+s16], $0x80, s25, s16, $0xb8;
	[tilespmem:$0x1E400] =	vst v63  }
0x26: {  	s29 =	simm.s32 $0x1400  }
0x27: {  	[spmem:s1] =	stream.indirect.scatter.add.f32 [tilespmem:s17], [sflag:$0x3], $0x80, s29, s16, $0xb8;
	[tilespmem:$0x1E400] =	vst v63  }
0x28: {  	_ =	swait.ge [sflag:s14], $0x4000  }
0x29: {  	[sflag:s14] =	ssyncset.done $0x0  }
0x2a: {  	[sflag:s14] =	ssyncadd.s32 $0xFFFFC000  }
0x2b: {  	_ =	swait.ge [sflag:s20], $0x4000  }
0x2c: {  	[sflag:s20] =	ssyncset.done $0x0  }
0x2d: {  	s30 =	simm.s32 $0x100;
	[sflag:s20] =	ssyncadd.s32 $0xFFFFC000  }
0x2e: {  	[tilespmem:s17], [sflag:$0x1] =	stream.indirect.gather [hbm4b:s4+s16], $0x80, s30, s16, $0xb8;
	[tilespmem:$0x1E400] =	vst v63  }
0x2f: {  	s31 =	simm.s32 $0x1480  }
0x30: {  	[spmem:s1] =	stream.indirect.scatter.add.f32 [tilespmem:s19], [sflag:$0x3], $0x80, s31, s16, $0xb8;
	[tilespmem:$0x1E400] =	vst v63  }
0x31: {  	_ =	swait.ge [sflag:s14], $0x4000  }
0x32: {  	s25 =	simm.s32 $0x400;
	[sflag:s14] =	ssyncset.done $0x0  }
.LBB2_2:
0x33: {  	p0 =	sne.s32 s25, $0x4800  }
0x34: {  	[sflag:s14] =	ssyncadd.s32 $0xFFFFC000;
	s26 =	smov.u32 s25;
	s25 =	sadd.s32 $0x400, s25  }
0x35: {  	_ = 	snop  }
0x36: {  	_ =	swait.ge [sflag:s18], $0x4000  }
0x37: {  	s26 =	sshra.s32 s26, $0x2;
	[sflag:s18] =	ssyncset.done $0x0  }
0x38: {  	s28 =	sadd.s32 $0x80, s26;
	[sflag:s18] =	ssyncadd.s32 $0xFFFFC000  }
0x39: {  	[tilespmem:s19], [sflag:$0x2] =	stream.indirect.gather [hbm4b:s4+s16], $0x80, s28, s16, $0xb8;
	[tilespmem:$0x1E400] =	vst v63  }
0x3a: {  	s28 =	sadd.s32 $0x1400, s26  }
0x3b: {  	[spmem:s1] =	stream.indirect.scatter.add.f32 [tilespmem:s17], [sflag:$0x3], $0x80, s28, s16, $0xb8;
	[tilespmem:$0x1E400] =	vst v63  }
0x3c: {  	_ =	swait.ge [sflag:s14], $0x4000  }
0x3d: {  	[sflag:s14] =	ssyncset.done $0x0  }
0x3e: {  	[sflag:s14] =	ssyncadd.s32 $0xFFFFC000  }
0x3f: {  	_ =	swait.ge [sflag:s20], $0x4000  }
0x40: {  	[sflag:s20] =	ssyncset.done $0x0  }
0x41: {  	s28 =	sadd.s32 $0x100, s26;
	[sflag:s20] =	ssyncadd.s32 $0xFFFFC000  }
0x42: {  	[tilespmem:s17], [sflag:$0x1] =	stream.indirect.gather [hbm4b:s4+s16], $0x80, s28, s16, $0xb8;
	[tilespmem:$0x1E400] =	vst v63  }
.Ltmp0:
0x43: {  	_ = 	snop;
	(pc) =	sbr.rel @p0 .LBB2_2-.Ltmp0, $4  }
0x44: {  	s26 =	sadd.s32 $0x1480, s26  }
0x45: {  	[spmem:s1] =	stream.indirect.scatter.add.f32 [tilespmem:s19], [sflag:$0x3], $0x80, s26, s16, $0xb8;
	[tilespmem:$0x1E400] =	vst v63  }
0x46: {  	_ =	swait.ge [sflag:s14], $0x4000  }
0x47: {  	[sflag:s14] =	ssyncset.done $0x0  }
0x48: {  	[sflag:s14] =	ssyncadd.s32 $0xFFFFC000  }
0x49: {  	_ =	swait.ge [sflag:s18], $0x4000  }
0x4a: {  	[sflag:s18] =	ssyncset.done $0x0  }
0x4b: {  	[sflag:s18] =	ssyncadd.s32 $0xFFFFC000  }
0x4c: {  	[tilespmem:s19], [sflag:$0x2] =	stream.indirect.gather [hbm4b:s4+s16], $0x80, s21, s16, $0xb8;
	[tilespmem:$0x1E400] =	vst v63  }
0x4d: {  	_ = 	snop  }
0x4e: {  	[spmem:s1] =	stream.indirect.scatter.add.f32 [tilespmem:s17], [sflag:$0x3], $0x80, s22, s16, $0xb8;
	[tilespmem:$0x1E400] =	vst v63  }
0x4f: {  	_ =	swait.ge [sflag:s14], $0x4000  }
0x50: {  	[sflag:s14] =	ssyncset.done $0x0  }
0x51: {  	[sflag:s14] =	ssyncadd.s32 $0xFFFFC000  }
0x52: {  	_ =	swait.ge [sflag:s20], $0x4000  }
0x53: {  	[sflag:s20] =	ssyncset.done $0x0  }
0x54: {  	[sflag:s20] =	ssyncadd.s32 $0xFFFFC000  }
0x55: {  	[spmem:s1] =	stream.indirect.scatter.add.f32 [tilespmem:s19], [sflag:$0x3], $0x80, s23, s16, $0xb8;
	[tilespmem:$0x1E400] =	vst v63  }
0x56: {  	_ =	swait.ge [sflag:s14], $0x4000  }
0x57: {  	[sflag:s14] =	ssyncset.done $0x0  }
0x58: {  	s25 =	simm.s32 $0x0;
	[sflag:s14] =	ssyncadd.s32 $0xFFFFC000  }
0x59: {  	[tilespmem:s25], [sflag:$0x3] =	stream.linear.gather [hbm4b:s9+s25], $0x1400, $0x38;
	[tilespmem:$0x1E400] =	vst v63  }
0x5a: {  	_ =	swait.ge [sflag:s14], $0x1400  }
0x5b: {  	[sflag:s14] =	ssyncset.done $0x0  }
0x5c: {  	[sflag:s14] =	ssyncadd.s32 $0xFFFFEC00  }
0x5d: {  	[tilespmem:s15], [sflag:$0x3] =	stream.linear.gather [hbm4b:s10+s25], $0x1400, $0x38;
	[tilespmem:$0x1E400] =	vst v63  }
0x5e: {  	_ =	swait.ge [sflag:s14], $0x1400  }
0x5f: {  	[sflag:s14] =	ssyncset.done $0x0  }
0x60: {  	[sflag:s14] =	ssyncadd.s32 $0xFFFFEC00  }
0x61: {  	[tilespmem:s17], [sflag:$0x1] =	stream.indirect.gather [hbm4b:s4+s16], $0x80, s25, s16, $0xb8;
	[tilespmem:$0x1E400] =	vst v63  }
0x62: {  	_ =	swait.ge [sflag:s18], $0x4000  }
0x63: {  	[sflag:s18] =	ssyncset.done $0x0  }
0x64: {  	s28 =	simm.s32 $0x80;
	[sflag:s18] =	ssyncadd.s32 $0xFFFFC000  }
0x65: {  	[tilespmem:s19], [sflag:$0x2] =	stream.indirect.gather [hbm4b:s4+s16], $0x80, s28, s16, $0xb8;
	[tilespmem:$0x1E400] =	vst v63  }
0x66: {  	s29 =	simm.s32 $0x1400  }
0x67: {  	[spmem:s1] =	stream.indirect.scatter.add.f32 [tilespmem:s17], [sflag:$0x3], $0x80, s29, s16, $0xb8;
	[tilespmem:$0x1E400] =	vst v63  }
0x68: {  	_ =	swait.ge [sflag:s14], $0x4000  }
0x69: {  	[sflag:s14] =	ssyncset.done $0x0  }
0x6a: {  	[sflag:s14] =	ssyncadd.s32 $0xFFFFC000  }
0x6b: {  	_ =	swait.ge [sflag:s20], $0x4000  }
0x6c: {  	[sflag:s20] =	ssyncset.done $0x0  }
0x6d: {  	s30 =	simm.s32 $0x100;
	[sflag:s20] =	ssyncadd.s32 $0xFFFFC000  }
0x6e: {  	[tilespmem:s17], [sflag:$0x1] =	stream.indirect.gather [hbm4b:s4+s16], $0x80, s30, s16, $0xb8;
	[tilespmem:$0x1E400] =	vst v63  }
0x6f: {  	s31 =	simm.s32 $0x1480  }
0x70: {  	[spmem:s1] =	stream.indirect.scatter.add.f32 [tilespmem:s19], [sflag:$0x3], $0x80, s31, s16, $0xb8;
	[tilespmem:$0x1E400] =	vst v63  }
0x71: {  	_ =	swait.ge [sflag:s14], $0x4000  }
0x72: {  	s25 =	simm.s32 $0x400;
	[sflag:s14] =	ssyncset.done $0x0  }
.LBB2_4:
0x73: {  	p0 =	sne.s32 s25, $0x4800  }
0x74: {  	[sflag:s14] =	ssyncadd.s32 $0xFFFFC000;
	s26 =	smov.u32 s25;
	s25 =	sadd.s32 $0x400, s25  }
0x75: {  	_ = 	snop  }
0x76: {  	_ =	swait.ge [sflag:s18], $0x4000  }
0x77: {  	s26 =	sshra.s32 s26, $0x2;
	[sflag:s18] =	ssyncset.done $0x0  }
0x78: {  	s28 =	sadd.s32 $0x80, s26;
	[sflag:s18] =	ssyncadd.s32 $0xFFFFC000  }
0x79: {  	[tilespmem:s19], [sflag:$0x2] =	stream.indirect.gather [hbm4b:s4+s16], $0x80, s28, s16, $0xb8;
	[tilespmem:$0x1E400] =	vst v63  }
0x7a: {  	s28 =	sadd.s32 $0x1400, s26  }
0x7b: {  	[spmem:s1] =	stream.indirect.scatter.add.f32 [tilespmem:s17], [sflag:$0x3], $0x80, s28, s16, $0xb8;
	[tilespmem:$0x1E400] =	vst v63  }
0x7c: {  	_ =	swait.ge [sflag:s14], $0x4000  }
0x7d: {  	[sflag:s14] =	ssyncset.done $0x0  }
0x7e: {  	[sflag:s14] =	ssyncadd.s32 $0xFFFFC000  }
0x7f: {  	_ =	swait.ge [sflag:s20], $0x4000  }
0x80: {  	[sflag:s20] =	ssyncset.done $0x0  }
0x81: {  	s28 =	sadd.s32 $0x100, s26;
	[sflag:s20] =	ssyncadd.s32 $0xFFFFC000  }
0x82: {  	[tilespmem:s17], [sflag:$0x1] =	stream.indirect.gather [hbm4b:s4+s16], $0x80, s28, s16, $0xb8;
	[tilespmem:$0x1E400] =	vst v63  }
.Ltmp1:
0x83: {  	_ = 	snop;
	(pc) =	sbr.rel @p0 .LBB2_4-.Ltmp1, $4  }
0x84: {  	s26 =	sadd.s32 $0x1480, s26  }
0x85: {  	[spmem:s1] =	stream.indirect.scatter.add.f32 [tilespmem:s19], [sflag:$0x3], $0x80, s26, s16, $0xb8;
	[tilespmem:$0x1E400] =	vst v63  }
0x86: {  	_ =	swait.ge [sflag:s14], $0x4000  }
0x87: {  	[sflag:s14] =	ssyncset.done $0x0  }
0x88: {  	[sflag:s14] =	ssyncadd.s32 $0xFFFFC000  }
0x89: {  	_ =	swait.ge [sflag:s18], $0x4000  }
0x8a: {  	[sflag:s18] =	ssyncset.done $0x0  }
0x8b: {  	[sflag:s18] =	ssyncadd.s32 $0xFFFFC000  }
0x8c: {  	[tilespmem:s19], [sflag:$0x2] =	stream.indirect.gather [hbm4b:s4+s16], $0x80, s21, s16, $0xb8;
	[tilespmem:$0x1E400] =	vst v63  }
0x8d: {  	_ = 	snop  }
0x8e: {  	[spmem:s1] =	stream.indirect.scatter.add.f32 [tilespmem:s17], [sflag:$0x3], $0x80, s22, s16, $0xb8;
	[tilespmem:$0x1E400] =	vst v63  }
0x8f: {  	_ =	swait.ge [sflag:s14], $0x4000  }
0x90: {  	[sflag:s14] =	ssyncset.done $0x0  }
0x91: {  	[sflag:s14] =	ssyncadd.s32 $0xFFFFC000  }
0x92: {  	_ =	swait.ge [sflag:s20], $0x4000  }
0x93: {  	[sflag:s20] =	ssyncset.done $0x0  }
0x94: {  	[sflag:s20] =	ssyncadd.s32 $0xFFFFC000  }
0x95: {  	[spmem:s1] =	stream.indirect.scatter.add.f32 [tilespmem:s19], [sflag:$0x3], $0x80, s23, s16, $0xb8;
	[tilespmem:$0x1E400] =	vst v63  }
0x96: {  	_ =	swait.ge [sflag:s14], $0x4000  }
0x97: {  	s24 =	sadd.s32 $0x1, s24;
	[sflag:s14] =	ssyncset.done $0x0  }
0x98: {  	p0 =	sne.s32 s24, s11;
	[sflag:s14] =	ssyncadd.s32 $0xFFFFC000  }
.Ltmp2:
0x99: {  	[bflag:$0x0] =	sbarrier.arrive $0xFFFF;
	(pc) =	sbr.rel @p0 .LBB2_1-.Ltmp2, $4  }
0x9a: {  	[hbm:s12], [sflag:s6] =	dma.local [spmem:s13], $0x2780  }
0x9b: {  	_ =	swait.ge [sflag:s14], $0x2780  }
0x9c: {  	[sflag:s14] =	ssyncset.done $0x0  }
0x9d: {  	[sflag:s14] =	ssyncadd.s32 $0xFFFFD880  }
0x9e: {  	_ =	sfence.sel $0x180000  }
0x9f: {  	[bflag:$0x0] =	sbarrier.arrive $0xFFFF  }
0xa0: {  	p0 =	sne.s32 s2, $0x0;
	_ =	strace $0x9000004D  }
0xa1: {  	s0 =	sadd.s32 @!p0 $0x100000, s0;
	[bflag:$0x2] =	sbarrier.arrive $0xFFFF  }
0xa2: {  	[sflag:s0] =	ssyncadd.tile.s32 @!p0 $0x1;
	_ =	shalt  }
.Lfunc_end2:
_tile_overlayer_lowered:
.L_overlay_start_2:
0xa3: {  	(tag) =	ssettag $0x2  }
0xa4: {  	s0 =	rddreg [dreg:$0x0];
	s2 =	stileid.u32  }
0xa5: {  	s1 =	rddreg [dreg:$0x1];
	p0 =	sne.s32 s2, $0x0  }
0xa6: {  	s3 =	rddreg [dreg:$0x2];
	[bflag:$0x3] =	sbarrier.arrive $0xFFFF;
	s2 =	simm.s32 @!p0 $0x1C03  }
0xa7: {  	[timem:s3], [sflag:s2] =	dma.local @!p0 [hbm:s0], s1  }
0xa8: {  	s0 =	simm.s32 @!p0 $0x3  }
0xa9: {  	_ =	swait.ge @!p0 [sflag:s0], s1  }
0xaa: {  	s1 =	ssub.s32 @!p0 $0x0, s1;
	[sflag:s0] =	ssyncset.done @!p0 $0x0  }
0xab: {  	[sflag:s0] =	ssyncadd.s32 @!p0 s1  }
0xac: {  	[bflag:$0x3] =	sbarrier.arrive $0xFFFF  }
0xad: {  	_ =	shalt  }

// kernel: kernel.8.cloned.1.call-start
scs
__scs_entry_jumppad:
0x0: {  	(pc) =	sbr.rel $0x88, $3  }
0x1: {  	(tag) =	ssettag $0x0;
	lr =	simm.s32 $0x1  }
0x2: {  	[smem:$0x3F99] =	sst lr;
	_ =	strace $0xD0000000  }
0x3: {  	_ = 	snop  }
0x4: {  	_ = 	snop  }
0x5: {  	_ = 	snop  }
0x6: {  	_ = 	snop  }
0x7: {  	_ = 	snop  }
__scs_overlays_trampoline_lowered:
0x8: {  	[smem:$0x3FA8] =	sst s0  }
0x9: {  	[smem:$0x3FA9] =	sst s1  }
0xa: {  	[smem:$0x3FAA] =	sst s2  }
0xb: {  	[smem:$0x3FAB] =	sst s3  }
0xc: {  	[smem:$0x3FAC] =	sst s4  }
0xd: {  	[smem:$0x3FAD] =	sst s5  }
0xe: {  	[smem:$0x3FAE] =	sst s6  }
0xf: {  	[smem:$0x3FAF] =	sst s7  }
0x10: {  	[smem:$0x3FB0] =	sst s8  }
0x11: {  	[smem:$0x3FB1] =	sst s9;
	s0 =	simm.s32 @!p0 $0x0  }
0x12: {  	s1 =	sld [smem:$0x3F97];
	s0 =	simm.s32 @p0 $0x1  }
0x13: {  	[smem:$0x3FB2] =	sst s0;
	s0 =	simm.s32 @!p1 $0x0  }
0x14: {  	s2 =	sld [smem:$0x3F96];
	s0 =	simm.s32 @p1 $0x1  }
0x15: {  	[smem:$0x3FB3] =	sst s0;
	s0 =	simm.s32 @!p2 $0x0  }
0x16: {  	s3 =	sld [smem:$0x3FDB];
	s0 =	simm.s32 @p2 $0x1  }
0x17: {  	s4 =	simm.s32 $0x1BF5;
	[smem:$0x3FB5] =	sst s0  }
0x18: {  	s0 =	sld [smem:$0x3F98];
	_ =	swait.ge [sflag:s4], $0x0  }
0x19: {  	s7 =	sld [smem:$0x3F99]  }
0x1a: {  	s8 =	sadd.s32 $0xFFFFE003, lr  }
0x1b: {  	s9 =	sadd.s32 $0xFFFFFEF7, lr;
	s5 =	simm.s32 $0xFFFFFFFF;
	p2 =	slt.u32 s8, $0xFFFFF086  }
0x1c: {  	p1 =	slt.u32 s9, $0xF7A;
	s5 =	simm.s32 @!p2 $0x0  }
0x1d: {  	s5 =	simm.s32 @p1 $0x1;
	p0 =	seq.s32 s7, s2  }
0x1e: {  	s7 =	smul.u32 @!p0 $0xF7A, s2;
	p2 =	seq.s32 @!p0 s5, $0x0  }
0x1f: {  	s9 =	smul.u32 $0xF7A, s1;
	s8 =	simm.s32 @!p0 $0x1BF5;
	p2 =	por !p2, p0  }
0x20: {  	[sflag:s8] =	ssyncset.s32 @!p0 $0xFFFFF086;
	s6 =	sadd.s32 @!p0 s3, s7;
	s7 =	simm.s32 @!p0 $0x108  }
0x21: {  	s3 =	sadd.s32 s3, s9;
	s6 =	sadd.s32 @!p0 $0x88, s6;
	s7 =	simm.s32 @p2 $0x1082  }
0x22: {  	[simem:s7], [sflag:s8] =	dma.local @!p0 [hbm:s6], $0xF7A  }
0x23: {  	s9 =	sor.u32 $0xD0000000, s2;
	s6 =	simm.s32 $0x108;
	_ =	swait.ge @!p0 [sflag:s8], $0x0  }
0x24: {  	s3 =	sadd.s32 $0x88, s3;
	s6 =	simm.s32 @!p1 $0x1082;
	[sflag:s4] =	ssyncset.s32 $0xFFFFF086  }
0x25: {  	[simem:s6], [sflag:s4] =	dma.local [hbm:s3], $0xF7A  }
0x26: {  	[smem:$0x3F99] =	sst s1;
	(tag) =	ssettag s2;
	_ =	strace s9  }
0x27: {  	s1 =	sld [smem:$0x3FA9]  }
0x28: {  	s2 =	sld [smem:$0x3FAA]  }
0x29: {  	s4 =	sld [smem:$0x3FAC]  }
0x2a: {  	p0 =	seq.s32 s5, $0x0;
	s5 =	sld [smem:$0x3FAD]  }
0x2b: {  	s6 =	sld [smem:$0x3FAE]  }
0x2c: {  	s7 =	sld [smem:$0x3FAF]  }
0x2d: {  	s3 =	simm.s32 $0x108;
	s8 =	sld [smem:$0x3FB0]  }
0x2e: {  	s3 =	simm.s32 @!p0 $0x1082;
	s9 =	sld [smem:$0x3FB1]  }
0x2f: {  	lr =	sadd.s32 s0, s3;
	s0 =	sld [smem:$0x3FA8]  }
0x30: {  	s3 =	sld [smem:$0x3FAB]  }
0x31: {  	[smem:$0x3FB4] =	sst s10  }
0x32: {  	s10 =	sld [smem:$0x3FB2];
	_ =	sdelay $0x3  }
0x33: {  	p0 =	seq.s32 s10, $0x1;
	s10 =	sld [smem:$0x3FB4];
	_ =	sdelay $0x3  }
0x34: {  	[smem:$0x3FB4] =	sst s10  }
0x35: {  	s10 =	sld [smem:$0x3FB3];
	_ =	sdelay $0x3  }
0x36: {  	p1 =	seq.s32 s10, $0x1;
	s10 =	sld [smem:$0x3FB4];
	_ =	sdelay $0x3  }
0x37: {  	[smem:$0x3FB4] =	sst s10  }
0x38: {  	s10 =	sld [smem:$0x3FB5]  }
0x39: {  	_ = 	snop;
	(pc) =	sbr.ind lr, $3  }
0x3a: {  	_ = 	snop  }
0x3b: {  	_ = 	snop  }
0x3c: {  	p2 =	seq.s32 s10, $0x1;
	s10 =	sld [smem:$0x3FB4]  }
0x3d: {  	_ =	shalt  }
0x3e: {  	_ =	shalt  }
0x3f: {  	_ =	shalt  }
0x40: {  	_ =	shalt  }
0x41: {  	_ =	shalt  }
0x42: {  	_ =	shalt  }
0x43: {  	_ =	shalt  }
0x44: {  	_ =	shalt  }
0x45: {  	_ =	shalt  }
0x46: {  	_ =	shalt  }
0x47: {  	_ =	shalt  }
0x48: {  	_ =	shalt  }
0x49: {  	_ =	shalt  }
0x4a: {  	_ =	shalt  }
0x4b: {  	_ =	shalt  }
0x4c: {  	_ =	shalt  }
0x4d: {  	_ =	shalt  }
0x4e: {  	_ =	shalt  }
0x4f: {  	_ =	shalt  }
0x50: {  	_ =	shalt  }
0x51: {  	_ =	shalt  }
0x52: {  	_ =	shalt  }
0x53: {  	_ =	shalt  }
0x54: {  	_ =	shalt  }
0x55: {  	_ =	shalt  }
0x56: {  	_ =	shalt  }
0x57: {  	_ =	shalt  }
0x58: {  	_ =	shalt  }
0x59: {  	_ =	shalt  }
0x5a: {  	_ =	shalt  }
0x5b: {  	_ =	shalt  }
0x5c: {  	_ =	shalt  }
0x5d: {  	_ =	shalt  }
0x5e: {  	_ =	shalt  }
0x5f: {  	_ =	shalt  }
0x60: {  	_ =	shalt  }
0x61: {  	_ =	shalt  }
0x62: {  	_ =	shalt  }
0x63: {  	_ =	shalt  }
0x64: {  	_ =	shalt  }
0x65: {  	_ =	shalt  }
0x66: {  	_ =	shalt  }
0x67: {  	_ =	shalt  }
0x68: {  	_ =	shalt  }
0x69: {  	_ =	shalt  }
0x6a: {  	_ =	shalt  }
0x6b: {  	_ =	shalt  }
0x6c: {  	_ =	shalt  }
0x6d: {  	_ =	shalt  }
0x6e: {  	_ =	shalt  }
0x6f: {  	_ =	shalt  }
0x70: {  	_ =	shalt  }
0x71: {  	_ =	shalt  }
0x72: {  	_ =	shalt  }
0x73: {  	_ =	shalt  }
0x74: {  	_ =	shalt  }
0x75: {  	_ =	shalt  }
0x76: {  	_ =	shalt  }
0x77: {  	_ =	shalt  }
0x78: {  	_ =	shalt  }
0x79: {  	_ =	shalt  }
0x7a: {  	_ =	shalt  }
0x7b: {  	_ =	shalt  }
0x7c: {  	_ =	shalt  }
0x7d: {  	_ =	shalt  }
0x7e: {  	_ =	shalt  }
0x7f: {  	_ =	shalt  }
0x80: {  	_ =	shalt  }
0x81: {  	_ =	shalt  }
0x82: {  	_ =	shalt  }
0x83: {  	_ =	shalt  }
0x84: {  	_ =	shalt  }
0x85: {  	_ =	shalt  }
0x86: {  	_ =	shalt  }
0x87: {  	_ =	shalt  }
.Lfunc_end0:
.L_simem_size_0:
called_computation_lowered:
.L_overlay_start_0:
0x88: {  	s2 =	sld [smem:$0x3FD9]  }
0x89: {  	s3 =	sld [smem:$0x3FFE];
	_ =	sdelay $0x1  }
0x8a: {  	s1 =	srdreg.scid  }
0x8b: {  	s0 =	sand.u32 $0x1, s1  }
0x8c: {  	s14 =	sshll.u32 s0, $0xA;
	s2 =	sadd.s32 s3, s2  }
0x8d: {  	s2 =	sadd.s32 s2, s14  }
0x8e: {  	[smem:$0x3FC0] =	sst s2  }
0x8f: {  	_ = 	snop  }
0x90: {  	s2 =	sld [smem:$0x3FD0];
	_ =	sdelay $0x2  }
0x91: {  	s15 =	simm.s32 $0xA;
	s4 =	simm.s32 $0x10  }
0x92: {  	[smem:s4], [sflag:s15] =	dma.local [hbm:s2], $0x1  }
0x93: {  	_ =	swait.eq [sflag:s15], $0x1  }
0x94: {  	[sflag:s15] =	ssyncset.done $0x0  }
0x95: {  	[sflag:s15] =	ssyncadd.s32 $0xFFFFFFFF  }
0x96: {  	s16 =	sld [smem:$0x11];
	(tm) =	ssettm $0x1  }
0x97: {  	s17 =	sld [smem:$0x3FFB];
	_ =	sdelay $0x3  }
0x98: {  	_ =	strace s17  }
0x99: {  	s3 =	sld [smem:$0x3FFC];
	_ =	sdelay $0x3  }
0x9a: {  	_ =	strace s3  }
0x9b: {  	s3 =	sld [smem:$0x3FFD];
	_ =	sdelay $0x3  }
0x9c: {  	_ =	strace s3  }
0x9d: {  	_ =	strace $0x8FFFFFFF  }
0x9e: {  	s18 =	sld [smem:$0x3FDB];
	_ =	sdelay $0x1  }
0x9f: {  	s19 =	simm.s32 $_scs_section_size  }
0xa0: {  	s5 =	simm.s32 $_size__tile_overlayer_lowered;
	s6 =	simm.s32 $_tile_overlayer_lowered  }
0xa1: {  	s22 =	simm.s32 $0x1BFF;
	s21 =	sshll.u32 s6, $0x1;
	s3 =	sadd.s32 s19, s18  }
0xa2: {  	s7 =	simm.s32 $0x0;
	s20 =	sshll.u32 s5, $0x1;
	s5 =	sadd.s32 s21, s3  }
0xa3: {  	[timem:s7], [sflag:s22] =	dma.local [hbm:s5], s20  }
0xa4: {  	_ =	swait.ge [sflag:s22], s20  }
0xa5: {  	s4 =	ssub.s32 $0x0, s20;
	[sflag:s22] =	ssyncset.done $0x0  }
0xa6: {  	[sflag:s22] =	ssyncadd.s32 s4;
	_ =	sdelay $0x1  }
0xa7: {  	s23 =	simm.s32 $0x1B8B  }
0xa8: {  	_ =	swait.ge [sflag:s23], $0x1  }
0xa9: {  	[sflag:s23] =	ssyncset.done $0x0  }
0xaa: {  	s25 =	simm.s32 $0x1B8E;
	s24 =	sld [smem:$0x3FFE];
	[sflag:s23] =	ssyncadd.s32 $0xFFFFFFFF  }
0xab: {  	s26 =	simm.s32 $execute0_lowered;
	[smem:$0x3FD2] =	sst s25  }
0xac: {  	s5 =	sshll.u32 s26, $0x1;
	_ =	strace $0x80000046;
	[dreg:$0x1] =	wrdreg $0xFFFFFFFF  }
0xad: {  	s28 =	simm.s32 $_size_execute0_lowered;
	s3 =	sadd.s32 s3, s5;
	[dreg:$0x0] =	wrdreg $0x0  }
0xae: {  	s5 =	sshll.u32 s28, $0x1;
	[dreg:$0x2] =	wrdreg s3  }
0xaf: {  	[dreg:$0x3] =	wrdreg s5  }
0xb0: {  	[dreg:$0x4] =	wrdreg $0xC0  }
0xb1: {  	_ =	task [dreg:s7], $0x5FFFF  }
0xb2: {  	[dreg:$0x1] =	wrdreg $0xFFFFFFFF  }
0xb3: {  	[dreg:$0x0] =	wrdreg $0x60  }
0xb4: {  	[dreg:$0x2] =	wrdreg s16  }
0xb5: {  	[dreg:$0x3] =	wrdreg s24  }
0xb6: {  	[dreg:$0x4] =	wrdreg $0x68000  }
0xb7: {  	[dreg:$0x5] =	wrdreg $0x9  }
0xb8: {  	_ =	task.clear_ibuf [dreg:s7], $0x6FFFF;
	_ =	strace $0x90000046  }
0xb9: {  	s29 =	simm.s32 $0x9;
	_ =	strace $0x80000048  }
0xba: {  	_ =	swait.ge [sflag:s29], $0x1  }
0xbb: {  	[sflag:s29] =	ssyncadd.s32 $0xFFFFFFFF  }
0xbc: {  	_ =	strace $0x90000048  }
0xbd: {  	_ =	sfence  }
0xbe: {  	s30 =	sld [smem:$0x0];
	_ =	sdelay $0x2  }
0xbf: {  	s31 =	sshll.u32 s1, $0xD;
	s1 =	sshrl.u32 s1, $0x2  }
0xc0: {  	s3 =	sand.u32 $0x4000, s31;
	s1 =	sadd.s32 s1, s30  }
0xc1: {  	s0 =	sor.u32 s3, s0;
	s1 =	sshll.u32 s1, $0x11  }
0xc2: {  	s0 =	sor.u32 s1, s0  }
0xc3: {  	s0 =	sadd.s32 $0x8F2B, s0  }
0xc4: {  	[sflag:s0] =	ssyncadd.remote.s32 $0x1  }
0xc5: {  	_ =	sfence.sel $0xFFFF  }
0xc6: {  	[dreg:$0x0] =	wrdreg $0xFFFFFFFF;
	(pc) =	sbr.abs _section_cstart, $3  }
0xc7: {  	[dreg:$0x1] =	wrdreg $0xFFFFFFFF  }
0xc8: {  	_ =	task.clear_ibuf [dreg:s7], $0x2FFFF;
	_ =	strace $0x9FFFFFFF  }
0xc9: {  	(tm) =	ssettm $0x7FFFFFFF  }
tec
execute0_lowered:
.L_overlay_start_1:
0x0: {  	(tag) =	ssettag $0x1  }
0x1: {  	s7 =	rddreg [dreg:$0x0]  }
0x2: {  	s4 =	rddreg [dreg:$0x1]  }
0x3: {  	s2 =	rddreg [dreg:$0x2]  }
0x4: {  	s0 =	rddreg [dreg:$0x3];
	s3 =	simm.s32 $0x0;
	s1 =	stileid.u32  }
0x5: {  	s6 =	srdreg.scid;
	s14 =	simm.s32 $0x0;
	s5 =	smul.u32 $0x2780, s1  }
0x6: {  	[smem:$0x7FF] =	sst s3;
	s8 =	sand.u32 $0x1, s6;
	s28 =	smul.u32 $0x4F000, s1  }
0x7: {  	s31 =	sshll.u32 s1, $0x6;
	_ =	strace $0x80000047;
	s29 =	ssub.s32 $0x2, s8  }
0x8: {  	s11 =	sshll.u32 s8, $0x4;
	p0 =	seq.s32 s8, $0x1;
	s9 =	sadd.s32 s5, s4  }
0x9: {  	s4 =	sadd.s32 $0x2AC00, s4;
	s10 =	sshrl.u32 s29, $0x1;
	s6 =	sshrl.u32 s28, $0x2  }
0xa: {  	s30 =	sor.u32 s1, s11;
	s11 =	simm.s32 $0x52C00;
	s10 =	ssub.s32 s29, s10  }
0xb: {  	s12 =	sadd.s32 s6, s2;
	s5 =	sadd.s32 $0x3400, s9;
	s13 =	smul.u32 $0x500, s30  }
0xc: {  	s6 =	sor.u32 $0x1C01, s31;
	s11 =	simm.s32 @!p0 $0x2B400;
	s8 =	smax.u32 s10, $0x1  }
0xd: {  	s9 =	sadd.s32 s11, s9;
	s10 =	sshrl.u32 s12, $0x3;
	s11 =	simm.s32 $0x1  }
0xe: {  	s12 =	simm.s32 $0x2800;
	s7 =	sadd.s32 s7, s13;
	s13 =	simm.s32 $0x80  }
.LBB2_1:
0xf: {  	[spmem:s10], [sflag:s6] =	dma.local [hbm:s5], $0x2780  }
0x10: {  	_ =	swait.ge [sflag:s11], $0x2780  }
0x11: {  	[sflag:s11] =	ssyncset.done $0x0  }
0x12: {  	[sflag:s11] =	ssyncadd.s32 $0xFFFFD880  }
0x13: {  	[tilespmem:s12], [sflag:$0x1] =	stream.linear.gather [hbm4b:s4+s3], $0x4000, $0x38;
	[tilespmem:$0x8F80] =	vst v63  }
0x14: {  	_ =	swait.ge [sflag:s11], $0x4000  }
0x15: {  	[sflag:s11] =	ssyncset.done $0x0  }
0x16: {  	[sflag:s11] =	ssyncadd.s32 $0xFFFFC000  }
0x17: {  	[tilespmem:s3], [sflag:$0x1] =	stream.linear.gather [hbm4b:s7+s3], $0x2800, $0x38;
	[tilespmem:$0x8F80] =	vst v63  }
0x18: {  	_ =	swait.ge [sflag:s11], $0x2800  }
0x19: {  	[sflag:s11] =	ssyncset.done $0x0  }
0x1a: {  	[sflag:s11] =	ssyncadd.s32 $0xFFFFD800  }
0x1b: {  	s15 =	simm.s32 $0x0;
	[bflag:$0x0] =	sbarrier.arrive $0xFFFF  }
0x1c: {  	[spmem:s2] =	stream.indirect.scatter.add.f32 [tilespmem:s12], [sflag:$0x1], $0x10, s15, s13, $0xb8;
	[tilespmem:$0x8F80] =	vst v63  }
0x1d: {  	_ =	swait.ge [sflag:s11], $0x800  }
0x1e: {  	s15 =	simm.s32 $0x200;
	[sflag:s11] =	ssyncset.done $0x0  }
.LBB2_2:
0x1f: {  	s16 =	sshra.s32 s15, $0x2;
	[sflag:s11] =	ssyncadd.s32 $0xFFFFF800;
	p0 =	sne.s32 s15, $0x9E00  }
0x20: {  	[spmem:s2] =	stream.indirect.scatter.add.f32 [tilespmem:s12], [sflag:$0x1], $0x10, s16, s13, $0xb8;
	[tilespmem:$0x8F80] =	vst v63  }
.Ltmp0:
0x21: {  	_ = 	snop;
	(pc) =	sbr.rel @p0 .LBB2_2-.Ltmp0, $4  }
0x22: {  	_ = 	snop  }
0x23: {  	s15 =	sadd.s32 $0x200, s15  }
0x24: {  	_ =	swait.ge [sflag:s11], $0x800  }
0x25: {  	[sflag:s11] =	ssyncset.done $0x0  }
0x26: {  	s14 =	sadd.s32 $0x1, s14  }
0x27: {  	[sflag:s11] =	ssyncadd.s32 $0xFFFFF800;
	p0 =	sne.s32 s14, s8  }
.Ltmp1:
0x28: {  	[bflag:$0x0] =	sbarrier.arrive $0xFFFF;
	(pc) =	sbr.rel @p0 .LBB2_1-.Ltmp1, $4  }
0x29: {  	[hbm:s9], [sflag:s6] =	dma.local [spmem:s10], $0x2780  }
0x2a: {  	_ =	swait.ge [sflag:s11], $0x2780  }
0x2b: {  	[sflag:s11] =	ssyncset.done $0x0  }
0x2c: {  	[sflag:s11] =	ssyncadd.s32 $0xFFFFD880  }
0x2d: {  	_ =	sfence.sel $0x180000  }
0x2e: {  	[bflag:$0x0] =	sbarrier.arrive $0xFFFF  }
0x2f: {  	p0 =	sne.s32 s1, $0x0;
	_ =	strace $0x90000047  }
0x30: {  	s0 =	sadd.s32 @!p0 $0x100000, s0;
	[bflag:$0x2] =	sbarrier.arrive $0xFFFF  }
0x31: {  	[sflag:s0] =	ssyncadd.tile.s32 @!p0 $0x1;
	_ =	shalt  }
.Lfunc_end2:
_tile_overlayer_lowered:
.L_overlay_start_2:
0x32: {  	(tag) =	ssettag $0x2  }
0x33: {  	s0 =	rddreg [dreg:$0x0];
	s2 =	stileid.u32  }
0x34: {  	s1 =	rddreg [dreg:$0x1];
	p0 =	sne.s32 s2, $0x0  }
0x35: {  	s3 =	rddreg [dreg:$0x2];
	[bflag:$0x3] =	sbarrier.arrive $0xFFFF;
	s2 =	simm.s32 @!p0 $0x1C01  }
0x36: {  	[timem:s3], [sflag:s2] =	dma.local @!p0 [hbm:s0], s1  }
0x37: {  	s0 =	simm.s32 @!p0 $0x1  }
0x38: {  	_ =	swait.ge @!p0 [sflag:s0], s1  }
0x39: {  	s1 =	ssub.s32 @!p0 $0x0, s1;
	[sflag:s0] =	ssyncset.done @!p0 $0x0  }
0x3a: {  	[sflag:s0] =	ssyncadd.s32 @!p0 s1  }
0x3b: {  	[bflag:$0x3] =	sbarrier.arrive $0xFFFF  }
0x3c: {  	_ =	shalt  }

</sc_bundles>
